<compile_context>
chip_gen: v7x
topology: tpu7x:2x2x1
jax: 0.10.2.dev20260603
libtpu: 0.0.44.dev20260713+nightly
codegen_flags: <defaults>
</compile_context>

<pallas_src>
import functools

import jax
import jax.numpy as jnp
from jax import lax
from jax.experimental import pallas as pl
from jax.experimental.pallas import tpu as pltpu
from jax.experimental.pallas import tpu_sc as plsc

_BS = 512
_E = 64
_NW = 32
_L = 16


def _logits_blk(x_ref, w_ref, out_ref):
    out_ref[:] = jax.lax.dot_general(
        w_ref[:], x_ref[:],
        (((1,), (1,)), ((), ())),
        preferred_element_type=jnp.float32,
    )


def _sc_gating(logits_hbm, gates_hbm, idx_hbm, logits_v, gates_v, idx_v):
    n_tok = logits_hbm.shape[1]
    chunk = n_tok // _NW
    wid = lax.axis_index("s") * 2 + lax.axis_index("c")
    base = wid * chunk
    pltpu.sync_copy(logits_hbm.at[:, pl.ds(base, chunk)], logits_v)

    n_grp = chunk // _L
    for g in range(n_grp):
        off = g * _L

        def amax_body(e, carry):
            m, bi = carry
            v = logits_v[e, pl.ds(off, _L)]
            upd = v > m
            bi = jnp.where(upd, jnp.full((_L,), e, jnp.int32), bi)
            m = jnp.maximum(m, v)
            return m, bi

        m0 = jnp.full((_L,), -jnp.inf, jnp.float32)
        b0 = jnp.zeros((_L,), jnp.int32)
        m, bi = lax.fori_loop(0, _E, amax_body, (m0, b0))

        def sum_body(e, s):
            v = logits_v[e, pl.ds(off, _L)]
            return s + jnp.exp(v - m)

        s = lax.fori_loop(0, _E, sum_body, jnp.zeros((_L,), jnp.float32))
        gates_v[pl.ds(off, _L)] = 1.0 / s
        idx_v[pl.ds(off, _L)] = bi

    pltpu.sync_copy(gates_v, gates_hbm.at[pl.ds(base, chunk)])
    pltpu.sync_copy(idx_v, idx_hbm.at[pl.ds(base, chunk)])


@jax.jit
def kernel(x, complexity, W_router, cg_w, cg_b):
    B, S, D = x.shape
    E = W_router.shape[0]
    n = (B * S) // _BS
    x2 = x.reshape(B * S, D)
    logits_t = pl.pallas_call(
        _logits_blk,
        grid=(n,),
        in_specs=[
            pl.BlockSpec((_BS, D), lambda i: (i, 0)),
            pl.BlockSpec((E, D), lambda i: (0, 0)),
        ],
        out_specs=pl.BlockSpec((E, _BS), lambda i: (0, i)),
        out_shape=jax.ShapeDtypeStruct((E, B * S), jnp.float32),
        compiler_params=pltpu.CompilerParams(
            dimension_semantics=("arbitrary",),
        ),
    )(x2, W_router)

    n_tok = B * S
    chunk = n_tok // _NW
    sc = functools.partial(
        pl.kernel,
        mesh=plsc.VectorSubcoreMesh(core_axis_name="c", subcore_axis_name="s"),
        out_type=[
            jax.ShapeDtypeStruct((n_tok,), jnp.float32),
            jax.ShapeDtypeStruct((n_tok,), jnp.int32),
        ],
        scratch_types=[
            pltpu.VMEM((_E, chunk), jnp.float32),
            pltpu.VMEM((chunk,), jnp.float32),
            pltpu.VMEM((chunk,), jnp.int32),
        ],
    )(_sc_gating)
    gates, idx = sc(logits_t)
    return gates.reshape(B, S), idx.reshape(B, S)

# --- scband reference (transcript-rebuilt; emitter-appended) ---
"""Pipeline reference for scband-triton-mo-erouter-50929722196047 (READ-ONLY COPY).

The authoritative reference and input builder live on the scoring server;
editing this copy changes nothing except your own understanding.
"""

import jax, jax.numpy as jnp
import numpy as np


def setup_inputs(seed: int = 0) -> dict:
    key = jax.random.key(seed)
    k1, k2, k3, k4 = jax.random.split(key, 4)
    B, S, D, E = 4, 2048, 4096, 64
    x = jax.random.normal(k1, (B, S, D), dtype=jnp.float32)
    complexity = jnp.ones((B, 1), dtype=jnp.float32)
    # nn.Linear(d_model, num_experts, bias=False), init std=0.01 -> weight [E, D]
    W_router = jax.random.normal(k2, (E, D), dtype=jnp.float32) * 0.01
    # nn.Linear(1, 1) complexity gate: weight [1,1], bias [1]
    cg_w = jax.random.normal(k3, (1, 1), dtype=jnp.float32)
    cg_b = jax.random.normal(k4, (1,), dtype=jnp.float32)
    return {"x": x, "complexity": complexity, "W_router": W_router, "cg_w": cg_w, "cg_b": cg_b}


def reference(x, complexity, W_router, cg_w, cg_b):
    # router_logits = self.router(x): [B, S, E]
    router_logits = jnp.einsum('bsd,ed->bse', x, W_router)
    # complexity_bias = self.complexity_gate(complexity): [B, 1]
    complexity_bias = complexity @ cg_w.T + cg_b
    # router_logits + complexity_bias.unsqueeze(1): broadcast [B,1,1] over [B,S,E]
    router_logits = router_logits + complexity_bias[:, None, :]
    # eval mode: no jitter noise
    router_probs = jax.nn.softmax(router_logits, axis=-1)
    gates = jnp.max(router_probs, axis=-1)
    indices = jnp.argmax(router_probs, axis=-1).astype(jnp.int64)
    return (gates, indices)

if __name__ == "__main__":
    import jax
    _d = setup_inputs()
    print(jax.jit(kernel)(*tuple(_d.values())))

</pallas_src>

<mosaic_0001>
#map = affine_map<(d0, d1) -> (0, 0)>
#map1 = affine_map<(d0, d1) -> (0)>
module attributes {stable_mosaic.version = 14 : i64} {
  func.func @_sc_gating(%arg0: i32, %arg1: i32, %arg2: memref<64x8192xf32, #tpu.memory_space<hbm>>, %arg3: memref<8192xf32, #tpu.memory_space<hbm>>, %arg4: memref<8192xi32, #tpu.memory_space<hbm>>, %arg5: memref<64x256xf32, #tpu.memory_space<vmem>>, %arg6: memref<256xf32, #tpu.memory_space<vmem>>, %arg7: memref<256xi32, #tpu.memory_space<vmem>>) attributes {dimension_semantics = [#tpu.dimension_semantics<core_parallel>, #tpu.dimension_semantics<subcore_parallel>], iteration_bounds = array<i64: 2, 16>, scalar_prefetch = 0 : i64, scratch_operands = 3 : i64, tpu.core_type = #tpu.core_type<sc_vector_subcore>, window_params = [{transform_indices = #map}, {transform_indices = #map1}, {transform_indices = #map1}]} {
    %mul3A = arith.constant 2 : i32
    %mul3A_0 = arith.muli %arg1, %mul3A : i32
    %add3A = arith.addi %mul3A_0, %arg0 : i32
    %mul3A_1 = arith.constant 256 : i32
    %mul3A_2 = arith.muli %add3A, %mul3A_1 : i32
    "tpu.region"() ({
      %run_scoped3A = tpu.sem_alloc : memref<!tpu.dma_semaphore, #tpu.memory_space<semaphore_mem>>
      %dma_start3A = arith.constant 0 : i32
      %dma_start3A_463 = tpu.memref_slice %arg2[%dma_start3A, %mul3A_2] : memref<64x8192xf32, #tpu.memory_space<hbm>> -> memref<64x256xf32, #tpu.memory_space<hbm>>
      %dma_start3A_464 = arith.constant 0 : i32
      %dma_start3A_465 = tpu.memref_slice %arg2[%dma_start3A_464, %mul3A_2] : memref<64x8192xf32, #tpu.memory_space<hbm>> -> memref<64x256xf32, #tpu.memory_space<hbm>>
      tpu.enqueue_dma source(%dma_start3A_465 : memref<64x256xf32, #tpu.memory_space<hbm>>) target(%arg5 : memref<64x256xf32, #tpu.memory_space<vmem>>) target_semaphore(%run_scoped3A : memref<!tpu.dma_semaphore, #tpu.memory_space<semaphore_mem>>)
      %dma_wait3A = arith.constant 0 : i32
      %dma_wait3A_466 = tpu.memref_slice %arg2[%dma_wait3A, %mul3A_2] : memref<64x8192xf32, #tpu.memory_space<hbm>> -> memref<64x256xf32, #tpu.memory_space<hbm>>
      %dma_wait3A_467 = arith.constant 0 : i32
      %dma_wait3A_468 = tpu.memref_slice %arg2[%dma_wait3A_467, %mul3A_2] : memref<64x8192xf32, #tpu.memory_space<hbm>> -> memref<64x256xf32, #tpu.memory_space<hbm>>
      tpu.wait_dma2 semaphore(%run_scoped3A : memref<!tpu.dma_semaphore, #tpu.memory_space<semaphore_mem>>) src(%dma_wait3A_468 : memref<64x256xf32, #tpu.memory_space<hbm>>) dst(%arg5 : memref<64x256xf32, #tpu.memory_space<vmem>>)
      tpu.yield
    }) : () -> ()
    %broadcast_in_dim3A = arith.constant 0xFF800000 : f32
    %broadcast_in_dim3A_3 = vector.broadcast %broadcast_in_dim3A : f32 to vector<16xf32>
    %broadcast_in_dim3A_4 = arith.constant 0 : i32
    %broadcast_in_dim3A_5 = vector.broadcast %broadcast_in_dim3A_4 : i32 to vector<16xi32>
    %scan3A = arith.constant 0 : i32
    %scan3A_6 = arith.constant 64 : i32
    %scan3A_7 = arith.addi %scan3A, %scan3A_6 : i32
    %scan3A_8 = arith.constant 1 : i32
    %scan3A_9:2 = scf.for %scan3A_463 = %scan3A to %scan3A_7 step %scan3A_8 iter_args(%scan3A_464 = %broadcast_in_dim3A_3, %scan3A_465 = %broadcast_in_dim3A_5) -> (vector<16xf32>, vector<16xi32>)  : i32 {
      %get3A = arith.index_cast %scan3A_463 : i32 to index
      %get3A_466 = arith.constant 0 : index
      %get3A_467 = tpu.vector_load %arg5[%get3A, %get3A_466] {strides = array<i32>} : memref<64x256xf32, #tpu.memory_space<vmem>>, vector<1x16xf32>,
      %get3A_468 = vector.shape_cast %get3A_467 : vector<1x16xf32> to vector<16xf32>
      %gt3A = arith.cmpf ogt, %get3A_468, %scan3A_464 : vector<16xf32>
      %broadcast_in_dim3A_469 = vector.broadcast %scan3A_463 : i32 to vector<16xi32>
      %select_n3A = arith.select %gt3A, %broadcast_in_dim3A_469, %scan3A_465 : vector<16xi1>, vector<16xi32>
      %max3A = arith.maximumf %scan3A_464, %get3A_468 : vector<16xf32>
      scf.yield %max3A, %select_n3A : vector<16xf32>, vector<16xi32>
    }
    %scan3A_10 = arith.constant 64 : i32
    %broadcast_in_dim3A_11 = arith.constant 0.000000e+00 : f32
    %broadcast_in_dim3A_12 = vector.broadcast %broadcast_in_dim3A_11 : f32 to vector<16xf32>
    %scan3A_13 = arith.constant 0 : i32
    %scan3A_14 = arith.constant 64 : i32
    %scan3A_15 = arith.addi %scan3A_13, %scan3A_14 : i32
    %scan3A_16 = arith.constant 1 : i32
    %scan3A_17 = scf.for %scan3A_463 = %scan3A_13 to %scan3A_15 step %scan3A_16 iter_args(%scan3A_464 = %broadcast_in_dim3A_12) -> (vector<16xf32>)  : i32 {
      %get3A = arith.index_cast %scan3A_463 : i32 to index
      %get3A_465 = arith.constant 0 : index
      %get3A_466 = tpu.vector_load %arg5[%get3A, %get3A_465] {strides = array<i32>} : memref<64x256xf32, #tpu.memory_space<vmem>>, vector<1x16xf32>,
      %get3A_467 = vector.shape_cast %get3A_466 : vector<1x16xf32> to vector<16xf32>
      %sub3A = arith.subf %get3A_467, %scan3A_9#0 : vector<16xf32>
      %exp3A = math.exp %sub3A : vector<16xf32>
      %add3A_468 = arith.addf %scan3A_464, %exp3A : vector<16xf32>
      scf.yield %add3A_468 : vector<16xf32>
    }
    %scan3A_18 = arith.constant 64 : i32
    %div3A = arith.constant 1.000000e+00 : f32
    %div3A_19 = vector.broadcast %div3A : f32 to vector<16xf32>
    %div3A_20 = arith.divf %div3A_19, %scan3A_17 : vector<16xf32>
    %swap3A = arith.constant 0 : index
    %swap3A_21 = tpu.vector_load %arg6[%swap3A] {strides = array<i32>} : memref<256xf32, #tpu.memory_space<vmem>>, vector<16xf32>,
    %swap3A_22 = vector.shape_cast %swap3A_21 : vector<16xf32> to vector<16xf32>
    %swap3A_23 = vector.shape_cast %div3A_20 : vector<16xf32> to vector<16xf32>
    tpu.vector_store %arg6[%swap3A], %swap3A_23 {strides = array<i32>} : memref<256xf32, #tpu.memory_space<vmem>>, vector<16xf32>,
    %swap3A_24 = arith.constant 0 : index
    %swap3A_25 = tpu.vector_load %arg7[%swap3A_24] {strides = array<i32>} : memref<256xi32, #tpu.memory_space<vmem>>, vector<16xi32>,
    %swap3A_26 = vector.shape_cast %swap3A_25 : vector<16xi32> to vector<16xi32>
    %swap3A_27 = vector.shape_cast %scan3A_9#1 : vector<16xi32> to vector<16xi32>
    tpu.vector_store %arg7[%swap3A_24], %swap3A_27 {strides = array<i32>} : memref<256xi32, #tpu.memory_space<vmem>>, vector<16xi32>,
    %broadcast_in_dim3A_28 = arith.constant 0xFF800000 : f32
    %broadcast_in_dim3A_29 = vector.broadcast %broadcast_in_dim3A_28 : f32 to vector<16xf32>
    %broadcast_in_dim3A_30 = arith.constant 0 : i32
    %broadcast_in_dim3A_31 = vector.broadcast %broadcast_in_dim3A_30 : i32 to vector<16xi32>
    %scan3A_32 = arith.constant 0 : i32
    %scan3A_33 = arith.constant 64 : i32
    %scan3A_34 = arith.addi %scan3A_32, %scan3A_33 : i32
    %scan3A_35 = arith.constant 1 : i32
    %scan3A_36:2 = scf.for %scan3A_463 = %scan3A_32 to %scan3A_34 step %scan3A_35 iter_args(%scan3A_464 = %broadcast_in_dim3A_29, %scan3A_465 = %broadcast_in_dim3A_31) -> (vector<16xf32>, vector<16xi32>)  : i32 {
      %get3A = arith.index_cast %scan3A_463 : i32 to index
      %get3A_466 = arith.constant 16 : index
      %get3A_467 = tpu.vector_load %arg5[%get3A, %get3A_466] {strides = array<i32>} : memref<64x256xf32, #tpu.memory_space<vmem>>, vector<1x16xf32>,
      %get3A_468 = vector.shape_cast %get3A_467 : vector<1x16xf32> to vector<16xf32>
      %gt3A = arith.cmpf ogt, %get3A_468, %scan3A_464 : vector<16xf32>
      %broadcast_in_dim3A_469 = vector.broadcast %scan3A_463 : i32 to vector<16xi32>
      %select_n3A = arith.select %gt3A, %broadcast_in_dim3A_469, %scan3A_465 : vector<16xi1>, vector<16xi32>
      %max3A = arith.maximumf %scan3A_464, %get3A_468 : vector<16xf32>
      scf.yield %max3A, %select_n3A : vector<16xf32>, vector<16xi32>
    }
    %scan3A_37 = arith.constant 64 : i32
    %broadcast_in_dim3A_38 = arith.constant 0.000000e+00 : f32
    %broadcast_in_dim3A_39 = vector.broadcast %broadcast_in_dim3A_38 : f32 to vector<16xf32>
    %scan3A_40 = arith.constant 0 : i32
    %scan3A_41 = arith.constant 64 : i32
    %scan3A_42 = arith.addi %scan3A_40, %scan3A_41 : i32
    %scan3A_43 = arith.constant 1 : i32
    %scan3A_44 = scf.for %scan3A_463 = %scan3A_40 to %scan3A_42 step %scan3A_43 iter_args(%scan3A_464 = %broadcast_in_dim3A_39) -> (vector<16xf32>)  : i32 {
      %get3A = arith.index_cast %scan3A_463 : i32 to index
      %get3A_465 = arith.constant 16 : index
      %get3A_466 = tpu.vector_load %arg5[%get3A, %get3A_465] {strides = array<i32>} : memref<64x256xf32, #tpu.memory_space<vmem>>, vector<1x16xf32>,
      %get3A_467 = vector.shape_cast %get3A_466 : vector<1x16xf32> to vector<16xf32>
      %sub3A = arith.subf %get3A_467, %scan3A_36#0 : vector<16xf32>
      %exp3A = math.exp %sub3A : vector<16xf32>
      %add3A_468 = arith.addf %scan3A_464, %exp3A : vector<16xf32>
      scf.yield %add3A_468 : vector<16xf32>
    }
    %scan3A_45 = arith.constant 64 : i32
    %div3A_46 = arith.constant 1.000000e+00 : f32
    %div3A_47 = vector.broadcast %div3A_46 : f32 to vector<16xf32>
    %div3A_48 = arith.divf %div3A_47, %scan3A_44 : vector<16xf32>
    %swap3A_49 = arith.constant 16 : index
    %swap3A_50 = tpu.vector_load %arg6[%swap3A_49] {strides = array<i32>} : memref<256xf32, #tpu.memory_space<vmem>>, vector<16xf32>,
    %swap3A_51 = vector.shape_cast %swap3A_50 : vector<16xf32> to vector<16xf32>
    %swap3A_52 = vector.shape_cast %div3A_48 : vector<16xf32> to vector<16xf32>
    tpu.vector_store %arg6[%swap3A_49], %swap3A_52 {strides = array<i32>} : memref<256xf32, #tpu.memory_space<vmem>>, vector<16xf32>,
    %swap3A_53 = arith.constant 16 : index
    %swap3A_54 = tpu.vector_load %arg7[%swap3A_53] {strides = array<i32>} : memref<256xi32, #tpu.memory_space<vmem>>, vector<16xi32>,
    %swap3A_55 = vector.shape_cast %swap3A_54 : vector<16xi32> to vector<16xi32>
    %swap3A_56 = vector.shape_cast %scan3A_36#1 : vector<16xi32> to vector<16xi32>
    tpu.vector_store %arg7[%swap3A_53], %swap3A_56 {strides = array<i32>} : memref<256xi32, #tpu.memory_space<vmem>>, vector<16xi32>,
    %broadcast_in_dim3A_57 = arith.constant 0xFF800000 : f32
    %broadcast_in_dim3A_58 = vector.broadcast %broadcast_in_dim3A_57 : f32 to vector<16xf32>
    %broadcast_in_dim3A_59 = arith.constant 0 : i32
    %broadcast_in_dim3A_60 = vector.broadcast %broadcast_in_dim3A_59 : i32 to vector<16xi32>
    %scan3A_61 = arith.constant 0 : i32
    %scan3A_62 = arith.constant 64 : i32
    %scan3A_63 = arith.addi %scan3A_61, %scan3A_62 : i32
    %scan3A_64 = arith.constant 1 : i32
    %scan3A_65:2 = scf.for %scan3A_463 = %scan3A_61 to %scan3A_63 step %scan3A_64 iter_args(%scan3A_464 = %broadcast_in_dim3A_58, %scan3A_465 = %broadcast_in_dim3A_60) -> (vector<16xf32>, vector<16xi32>)  : i32 {
      %get3A = arith.index_cast %scan3A_463 : i32 to index
      %get3A_466 = arith.constant 32 : index
      %get3A_467 = tpu.vector_load %arg5[%get3A, %get3A_466] {strides = array<i32>} : memref<64x256xf32, #tpu.memory_space<vmem>>, vector<1x16xf32>,
      %get3A_468 = vector.shape_cast %get3A_467 : vector<1x16xf32> to vector<16xf32>
      %gt3A = arith.cmpf ogt, %get3A_468, %scan3A_464 : vector<16xf32>
      %broadcast_in_dim3A_469 = vector.broadcast %scan3A_463 : i32 to vector<16xi32>
      %select_n3A = arith.select %gt3A, %broadcast_in_dim3A_469, %scan3A_465 : vector<16xi1>, vector<16xi32>
      %max3A = arith.maximumf %scan3A_464, %get3A_468 : vector<16xf32>
      scf.yield %max3A, %select_n3A : vector<16xf32>, vector<16xi32>
    }
    %scan3A_66 = arith.constant 64 : i32
    %broadcast_in_dim3A_67 = arith.constant 0.000000e+00 : f32
    %broadcast_in_dim3A_68 = vector.broadcast %broadcast_in_dim3A_67 : f32 to vector<16xf32>
    %scan3A_69 = arith.constant 0 : i32
    %scan3A_70 = arith.constant 64 : i32
    %scan3A_71 = arith.addi %scan3A_69, %scan3A_70 : i32
    %scan3A_72 = arith.constant 1 : i32
    %scan3A_73 = scf.for %scan3A_463 = %scan3A_69 to %scan3A_71 step %scan3A_72 iter_args(%scan3A_464 = %broadcast_in_dim3A_68) -> (vector<16xf32>)  : i32 {
      %get3A = arith.index_cast %scan3A_463 : i32 to index
      %get3A_465 = arith.constant 32 : index
      %get3A_466 = tpu.vector_load %arg5[%get3A, %get3A_465] {strides = array<i32>} : memref<64x256xf32, #tpu.memory_space<vmem>>, vector<1x16xf32>,
      %get3A_467 = vector.shape_cast %get3A_466 : vector<1x16xf32> to vector<16xf32>
      %sub3A = arith.subf %get3A_467, %scan3A_65#0 : vector<16xf32>
      %exp3A = math.exp %sub3A : vector<16xf32>
      %add3A_468 = arith.addf %scan3A_464, %exp3A : vector<16xf32>
      scf.yield %add3A_468 : vector<16xf32>
    }
    %scan3A_74 = arith.constant 64 : i32
    %div3A_75 = arith.constant 1.000000e+00 : f32
    %div3A_76 = vector.broadcast %div3A_75 : f32 to vector<16xf32>
    %div3A_77 = arith.divf %div3A_76, %scan3A_73 : vector<16xf32>
    %swap3A_78 = arith.constant 32 : index
    %swap3A_79 = tpu.vector_load %arg6[%swap3A_78] {strides = array<i32>} : memref<256xf32, #tpu.memory_space<vmem>>, vector<16xf32>,
    %swap3A_80 = vector.shape_cast %swap3A_79 : vector<16xf32> to vector<16xf32>
    %swap3A_81 = vector.shape_cast %div3A_77 : vector<16xf32> to vector<16xf32>
    tpu.vector_store %arg6[%swap3A_78], %swap3A_81 {strides = array<i32>} : memref<256xf32, #tpu.memory_space<vmem>>, vector<16xf32>,
    %swap3A_82 = arith.constant 32 : index
    %swap3A_83 = tpu.vector_load %arg7[%swap3A_82] {strides = array<i32>} : memref<256xi32, #tpu.memory_space<vmem>>, vector<16xi32>,
    %swap3A_84 = vector.shape_cast %swap3A_83 : vector<16xi32> to vector<16xi32>
    %swap3A_85 = vector.shape_cast %scan3A_65#1 : vector<16xi32> to vector<16xi32>
    tpu.vector_store %arg7[%swap3A_82], %swap3A_85 {strides = array<i32>} : memref<256xi32, #tpu.memory_space<vmem>>, vector<16xi32>,
    %broadcast_in_dim3A_86 = arith.constant 0xFF800000 : f32
    %broadcast_in_dim3A_87 = vector.broadcast %broadcast_in_dim3A_86 : f32 to vector<16xf32>
    %broadcast_in_dim3A_88 = arith.constant 0 : i32
    %broadcast_in_dim3A_89 = vector.broadcast %broadcast_in_dim3A_88 : i32 to vector<16xi32>
    %scan3A_90 = arith.constant 0 : i32
    %scan3A_91 = arith.constant 64 : i32
    %scan3A_92 = arith.addi %scan3A_90, %scan3A_91 : i32
    %scan3A_93 = arith.constant 1 : i32
    %scan3A_94:2 = scf.for %scan3A_463 = %scan3A_90 to %scan3A_92 step %scan3A_93 iter_args(%scan3A_464 = %broadcast_in_dim3A_87, %scan3A_465 = %broadcast_in_dim3A_89) -> (vector<16xf32>, vector<16xi32>)  : i32 {
      %get3A = arith.index_cast %scan3A_463 : i32 to index
      %get3A_466 = arith.constant 48 : index
      %get3A_467 = tpu.vector_load %arg5[%get3A, %get3A_466] {strides = array<i32>} : memref<64x256xf32, #tpu.memory_space<vmem>>, vector<1x16xf32>,
      %get3A_468 = vector.shape_cast %get3A_467 : vector<1x16xf32> to vector<16xf32>
      %gt3A = arith.cmpf ogt, %get3A_468, %scan3A_464 : vector<16xf32>
      %broadcast_in_dim3A_469 = vector.broadcast %scan3A_463 : i32 to vector<16xi32>
      %select_n3A = arith.select %gt3A, %broadcast_in_dim3A_469, %scan3A_465 : vector<16xi1>, vector<16xi32>
      %max3A = arith.maximumf %scan3A_464, %get3A_468 : vector<16xf32>
      scf.yield %max3A, %select_n3A : vector<16xf32>, vector<16xi32>
    }
    %scan3A_95 = arith.constant 64 : i32
    %broadcast_in_dim3A_96 = arith.constant 0.000000e+00 : f32
    %broadcast_in_dim3A_97 = vector.broadcast %broadcast_in_dim3A_96 : f32 to vector<16xf32>
    %scan3A_98 = arith.constant 0 : i32
    %scan3A_99 = arith.constant 64 : i32
    %scan3A_100 = arith.addi %scan3A_98, %scan3A_99 : i32
    %scan3A_101 = arith.constant 1 : i32
    %scan3A_102 = scf.for %scan3A_463 = %scan3A_98 to %scan3A_100 step %scan3A_101 iter_args(%scan3A_464 = %broadcast_in_dim3A_97) -> (vector<16xf32>)  : i32 {
      %get3A = arith.index_cast %scan3A_463 : i32 to index
      %get3A_465 = arith.constant 48 : index
      %get3A_466 = tpu.vector_load %arg5[%get3A, %get3A_465] {strides = array<i32>} : memref<64x256xf32, #tpu.memory_space<vmem>>, vector<1x16xf32>,
      %get3A_467 = vector.shape_cast %get3A_466 : vector<1x16xf32> to vector<16xf32>
      %sub3A = arith.subf %get3A_467, %scan3A_94#0 : vector<16xf32>
      %exp3A = math.exp %sub3A : vector<16xf32>
      %add3A_468 = arith.addf %scan3A_464, %exp3A : vector<16xf32>
      scf.yield %add3A_468 : vector<16xf32>
    }
    %scan3A_103 = arith.constant 64 : i32
    %div3A_104 = arith.constant 1.000000e+00 : f32
    %div3A_105 = vector.broadcast %div3A_104 : f32 to vector<16xf32>
    %div3A_106 = arith.divf %div3A_105, %scan3A_102 : vector<16xf32>
    %swap3A_107 = arith.constant 48 : index
    %swap3A_108 = tpu.vector_load %arg6[%swap3A_107] {strides = array<i32>} : memref<256xf32, #tpu.memory_space<vmem>>, vector<16xf32>,
    %swap3A_109 = vector.shape_cast %swap3A_108 : vector<16xf32> to vector<16xf32>
    %swap3A_110 = vector.shape_cast %div3A_106 : vector<16xf32> to vector<16xf32>
    tpu.vector_store %arg6[%swap3A_107], %swap3A_110 {strides = array<i32>} : memref<256xf32, #tpu.memory_space<vmem>>, vector<16xf32>,
    %swap3A_111 = arith.constant 48 : index
    %swap3A_112 = tpu.vector_load %arg7[%swap3A_111] {strides = array<i32>} : memref<256xi32, #tpu.memory_space<vmem>>, vector<16xi32>,
    %swap3A_113 = vector.shape_cast %swap3A_112 : vector<16xi32> to vector<16xi32>
    %swap3A_114 = vector.shape_cast %scan3A_94#1 : vector<16xi32> to vector<16xi32>
    tpu.vector_store %arg7[%swap3A_111], %swap3A_114 {strides = array<i32>} : memref<256xi32, #tpu.memory_space<vmem>>, vector<16xi32>,
    %broadcast_in_dim3A_115 = arith.constant 0xFF800000 : f32
    %broadcast_in_dim3A_116 = vector.broadcast %broadcast_in_dim3A_115 : f32 to vector<16xf32>
    %broadcast_in_dim3A_117 = arith.constant 0 : i32
    %broadcast_in_dim3A_118 = vector.broadcast %broadcast_in_dim3A_117 : i32 to vector<16xi32>
    %scan3A_119 = arith.constant 0 : i32
    %scan3A_120 = arith.constant 64 : i32
    %scan3A_121 = arith.addi %scan3A_119, %scan3A_120 : i32
    %scan3A_122 = arith.constant 1 : i32
    %scan3A_123:2 = scf.for %scan3A_463 = %scan3A_119 to %scan3A_121 step %scan3A_122 iter_args(%scan3A_464 = %broadcast_in_dim3A_116, %scan3A_465 = %broadcast_in_dim3A_118) -> (vector<16xf32>, vector<16xi32>)  : i32 {
      %get3A = arith.index_cast %scan3A_463 : i32 to index
      %get3A_466 = arith.constant 64 : index
      %get3A_467 = tpu.vector_load %arg5[%get3A, %get3A_466] {strides = array<i32>} : memref<64x256xf32, #tpu.memory_space<vmem>>, vector<1x16xf32>,
      %get3A_468 = vector.shape_cast %get3A_467 : vector<1x16xf32> to vector<16xf32>
      %gt3A = arith.cmpf ogt, %get3A_468, %scan3A_464 : vector<16xf32>
      %broadcast_in_dim3A_469 = vector.broadcast %scan3A_463 : i32 to vector<16xi32>
      %select_n3A = arith.select %gt3A, %broadcast_in_dim3A_469, %scan3A_465 : vector<16xi1>, vector<16xi32>
      %max3A = arith.maximumf %scan3A_464, %get3A_468 : vector<16xf32>
      scf.yield %max3A, %select_n3A : vector<16xf32>, vector<16xi32>
    }
    %scan3A_124 = arith.constant 64 : i32
    %broadcast_in_dim3A_125 = arith.constant 0.000000e+00 : f32
    %broadcast_in_dim3A_126 = vector.broadcast %broadcast_in_dim3A_125 : f32 to vector<16xf32>
    %scan3A_127 = arith.constant 0 : i32
    %scan3A_128 = arith.constant 64 : i32
    %scan3A_129 = arith.addi %scan3A_127, %scan3A_128 : i32
    %scan3A_130 = arith.constant 1 : i32
    %scan3A_131 = scf.for %scan3A_463 = %scan3A_127 to %scan3A_129 step %scan3A_130 iter_args(%scan3A_464 = %broadcast_in_dim3A_126) -> (vector<16xf32>)  : i32 {
      %get3A = arith.index_cast %scan3A_463 : i32 to index
      %get3A_465 = arith.constant 64 : index
      %get3A_466 = tpu.vector_load %arg5[%get3A, %get3A_465] {strides = array<i32>} : memref<64x256xf32, #tpu.memory_space<vmem>>, vector<1x16xf32>,
      %get3A_467 = vector.shape_cast %get3A_466 : vector<1x16xf32> to vector<16xf32>
      %sub3A = arith.subf %get3A_467, %scan3A_123#0 : vector<16xf32>
      %exp3A = math.exp %sub3A : vector<16xf32>
      %add3A_468 = arith.addf %scan3A_464, %exp3A : vector<16xf32>
      scf.yield %add3A_468 : vector<16xf32>
    }
    %scan3A_132 = arith.constant 64 : i32
    %div3A_133 = arith.constant 1.000000e+00 : f32
    %div3A_134 = vector.broadcast %div3A_133 : f32 to vector<16xf32>
    %div3A_135 = arith.divf %div3A_134, %scan3A_131 : vector<16xf32>
    %swap3A_136 = arith.constant 64 : index
    %swap3A_137 = tpu.vector_load %arg6[%swap3A_136] {strides = array<i32>} : memref<256xf32, #tpu.memory_space<vmem>>, vector<16xf32>,
    %swap3A_138 = vector.shape_cast %swap3A_137 : vector<16xf32> to vector<16xf32>
    %swap3A_139 = vector.shape_cast %div3A_135 : vector<16xf32> to vector<16xf32>
    tpu.vector_store %arg6[%swap3A_136], %swap3A_139 {strides = array<i32>} : memref<256xf32, #tpu.memory_space<vmem>>, vector<16xf32>,
    %swap3A_140 = arith.constant 64 : index
    %swap3A_141 = tpu.vector_load %arg7[%swap3A_140] {strides = array<i32>} : memref<256xi32, #tpu.memory_space<vmem>>, vector<16xi32>,
    %swap3A_142 = vector.shape_cast %swap3A_141 : vector<16xi32> to vector<16xi32>
    %swap3A_143 = vector.shape_cast %scan3A_123#1 : vector<16xi32> to vector<16xi32>
    tpu.vector_store %arg7[%swap3A_140], %swap3A_143 {strides = array<i32>} : memref<256xi32, #tpu.memory_space<vmem>>, vector<16xi32>,
    %broadcast_in_dim3A_144 = arith.constant 0xFF800000 : f32
    %broadcast_in_dim3A_145 = vector.broadcast %broadcast_in_dim3A_144 : f32 to vector<16xf32>
    %broadcast_in_dim3A_146 = arith.constant 0 : i32
    %broadcast_in_dim3A_147 = vector.broadcast %broadcast_in_dim3A_146 : i32 to vector<16xi32>
    %scan3A_148 = arith.constant 0 : i32
    %scan3A_149 = arith.constant 64 : i32
    %scan3A_150 = arith.addi %scan3A_148, %scan3A_149 : i32
    %scan3A_151 = arith.constant 1 : i32
    %scan3A_152:2 = scf.for %scan3A_463 = %scan3A_148 to %scan3A_150 step %scan3A_151 iter_args(%scan3A_464 = %broadcast_in_dim3A_145, %scan3A_465 = %broadcast_in_dim3A_147) -> (vector<16xf32>, vector<16xi32>)  : i32 {
      %get3A = arith.index_cast %scan3A_463 : i32 to index
      %get3A_466 = arith.constant 80 : index
      %get3A_467 = tpu.vector_load %arg5[%get3A, %get3A_466] {strides = array<i32>} : memref<64x256xf32, #tpu.memory_space<vmem>>, vector<1x16xf32>,
      %get3A_468 = vector.shape_cast %get3A_467 : vector<1x16xf32> to vector<16xf32>
      %gt3A = arith.cmpf ogt, %get3A_468, %scan3A_464 : vector<16xf32>
      %broadcast_in_dim3A_469 = vector.broadcast %scan3A_463 : i32 to vector<16xi32>
      %select_n3A = arith.select %gt3A, %broadcast_in_dim3A_469, %scan3A_465 : vector<16xi1>, vector<16xi32>
      %max3A = arith.maximumf %scan3A_464, %get3A_468 : vector<16xf32>
      scf.yield %max3A, %select_n3A : vector<16xf32>, vector<16xi32>
    }
    %scan3A_153 = arith.constant 64 : i32
    %broadcast_in_dim3A_154 = arith.constant 0.000000e+00 : f32
    %broadcast_in_dim3A_155 = vector.broadcast %broadcast_in_dim3A_154 : f32 to vector<16xf32>
    %scan3A_156 = arith.constant 0 : i32
    %scan3A_157 = arith.constant 64 : i32
    %scan3A_158 = arith.addi %scan3A_156, %scan3A_157 : i32
    %scan3A_159 = arith.constant 1 : i32
    %scan3A_160 = scf.for %scan3A_463 = %scan3A_156 to %scan3A_158 step %scan3A_159 iter_args(%scan3A_464 = %broadcast_in_dim3A_155) -> (vector<16xf32>)  : i32 {
      %get3A = arith.index_cast %scan3A_463 : i32 to index
      %get3A_465 = arith.constant 80 : index
      %get3A_466 = tpu.vector_load %arg5[%get3A, %get3A_465] {strides = array<i32>} : memref<64x256xf32, #tpu.memory_space<vmem>>, vector<1x16xf32>,
      %get3A_467 = vector.shape_cast %get3A_466 : vector<1x16xf32> to vector<16xf32>
      %sub3A = arith.subf %get3A_467, %scan3A_152#0 : vector<16xf32>
      %exp3A = math.exp %sub3A : vector<16xf32>
      %add3A_468 = arith.addf %scan3A_464, %exp3A : vector<16xf32>
      scf.yield %add3A_468 : vector<16xf32>
    }
    %scan3A_161 = arith.constant 64 : i32
    %div3A_162 = arith.constant 1.000000e+00 : f32
    %div3A_163 = vector.broadcast %div3A_162 : f32 to vector<16xf32>
    %div3A_164 = arith.divf %div3A_163, %scan3A_160 : vector<16xf32>
    %swap3A_165 = arith.constant 80 : index
    %swap3A_166 = tpu.vector_load %arg6[%swap3A_165] {strides = array<i32>} : memref<256xf32, #tpu.memory_space<vmem>>, vector<16xf32>,
    %swap3A_167 = vector.shape_cast %swap3A_166 : vector<16xf32> to vector<16xf32>
    %swap3A_168 = vector.shape_cast %div3A_164 : vector<16xf32> to vector<16xf32>
    tpu.vector_store %arg6[%swap3A_165], %swap3A_168 {strides = array<i32>} : memref<256xf32, #tpu.memory_space<vmem>>, vector<16xf32>,
    %swap3A_169 = arith.constant 80 : index
    %swap3A_170 = tpu.vector_load %arg7[%swap3A_169] {strides = array<i32>} : memref<256xi32, #tpu.memory_space<vmem>>, vector<16xi32>,
    %swap3A_171 = vector.shape_cast %swap3A_170 : vector<16xi32> to vector<16xi32>
    %swap3A_172 = vector.shape_cast %scan3A_152#1 : vector<16xi32> to vector<16xi32>
    tpu.vector_store %arg7[%swap3A_169], %swap3A_172 {strides = array<i32>} : memref<256xi32, #tpu.memory_space<vmem>>, vector<16xi32>,
    %broadcast_in_dim3A_173 = arith.constant 0xFF800000 : f32
    %broadcast_in_dim3A_174 = vector.broadcast %broadcast_in_dim3A_173 : f32 to vector<16xf32>
    %broadcast_in_dim3A_175 = arith.constant 0 : i32
    %broadcast_in_dim3A_176 = vector.broadcast %broadcast_in_dim3A_175 : i32 to vector<16xi32>
    %scan3A_177 = arith.constant 0 : i32
    %scan3A_178 = arith.constant 64 : i32
    %scan3A_179 = arith.addi %scan3A_177, %scan3A_178 : i32
    %scan3A_180 = arith.constant 1 : i32
    %scan3A_181:2 = scf.for %scan3A_463 = %scan3A_177 to %scan3A_179 step %scan3A_180 iter_args(%scan3A_464 = %broadcast_in_dim3A_174, %scan3A_465 = %broadcast_in_dim3A_176) -> (vector<16xf32>, vector<16xi32>)  : i32 {
      %get3A = arith.index_cast %scan3A_463 : i32 to index
      %get3A_466 = arith.constant 96 : index
      %get3A_467 = tpu.vector_load %arg5[%get3A, %get3A_466] {strides = array<i32>} : memref<64x256xf32, #tpu.memory_space<vmem>>, vector<1x16xf32>,
      %get3A_468 = vector.shape_cast %get3A_467 : vector<1x16xf32> to vector<16xf32>
      %gt3A = arith.cmpf ogt, %get3A_468, %scan3A_464 : vector<16xf32>
      %broadcast_in_dim3A_469 = vector.broadcast %scan3A_463 : i32 to vector<16xi32>
      %select_n3A = arith.select %gt3A, %broadcast_in_dim3A_469, %scan3A_465 : vector<16xi1>, vector<16xi32>
      %max3A = arith.maximumf %scan3A_464, %get3A_468 : vector<16xf32>
      scf.yield %max3A, %select_n3A : vector<16xf32>, vector<16xi32>
    }
    %scan3A_182 = arith.constant 64 : i32
    %broadcast_in_dim3A_183 = arith.constant 0.000000e+00 : f32
    %broadcast_in_dim3A_184 = vector.broadcast %broadcast_in_dim3A_183 : f32 to vector<16xf32>
    %scan3A_185 = arith.constant 0 : i32
    %scan3A_186 = arith.constant 64 : i32
    %scan3A_187 = arith.addi %scan3A_185, %scan3A_186 : i32
    %scan3A_188 = arith.constant 1 : i32
    %scan3A_189 = scf.for %scan3A_463 = %scan3A_185 to %scan3A_187 step %scan3A_188 iter_args(%scan3A_464 = %broadcast_in_dim3A_184) -> (vector<16xf32>)  : i32 {
      %get3A = arith.index_cast %scan3A_463 : i32 to index
      %get3A_465 = arith.constant 96 : index
      %get3A_466 = tpu.vector_load %arg5[%get3A, %get3A_465] {strides = array<i32>} : memref<64x256xf32, #tpu.memory_space<vmem>>, vector<1x16xf32>,
      %get3A_467 = vector.shape_cast %get3A_466 : vector<1x16xf32> to vector<16xf32>
      %sub3A = arith.subf %get3A_467, %scan3A_181#0 : vector<16xf32>
      %exp3A = math.exp %sub3A : vector<16xf32>
      %add3A_468 = arith.addf %scan3A_464, %exp3A : vector<16xf32>
      scf.yield %add3A_468 : vector<16xf32>
    }
    %scan3A_190 = arith.constant 64 : i32
    %div3A_191 = arith.constant 1.000000e+00 : f32
    %div3A_192 = vector.broadcast %div3A_191 : f32 to vector<16xf32>
    %div3A_193 = arith.divf %div3A_192, %scan3A_189 : vector<16xf32>
    %swap3A_194 = arith.constant 96 : index
    %swap3A_195 = tpu.vector_load %arg6[%swap3A_194] {strides = array<i32>} : memref<256xf32, #tpu.memory_space<vmem>>, vector<16xf32>,
    %swap3A_196 = vector.shape_cast %swap3A_195 : vector<16xf32> to vector<16xf32>
    %swap3A_197 = vector.shape_cast %div3A_193 : vector<16xf32> to vector<16xf32>
    tpu.vector_store %arg6[%swap3A_194], %swap3A_197 {strides = array<i32>} : memref<256xf32, #tpu.memory_space<vmem>>, vector<16xf32>,
    %swap3A_198 = arith.constant 96 : index
    %swap3A_199 = tpu.vector_load %arg7[%swap3A_198] {strides = array<i32>} : memref<256xi32, #tpu.memory_space<vmem>>, vector<16xi32>,
    %swap3A_200 = vector.shape_cast %swap3A_199 : vector<16xi32> to vector<16xi32>
    %swap3A_201 = vector.shape_cast %scan3A_181#1 : vector<16xi32> to vector<16xi32>
    tpu.vector_store %arg7[%swap3A_198], %swap3A_201 {strides = array<i32>} : memref<256xi32, #tpu.memory_space<vmem>>, vector<16xi32>,
    %broadcast_in_dim3A_202 = arith.constant 0xFF800000 : f32
    %broadcast_in_dim3A_203 = vector.broadcast %broadcast_in_dim3A_202 : f32 to vector<16xf32>
    %broadcast_in_dim3A_204 = arith.constant 0 : i32
    %broadcast_in_dim3A_205 = vector.broadcast %broadcast_in_dim3A_204 : i32 to vector<16xi32>
    %scan3A_206 = arith.constant 0 : i32
    %scan3A_207 = arith.constant 64 : i32
    %scan3A_208 = arith.addi %scan3A_206, %scan3A_207 : i32
    %scan3A_209 = arith.constant 1 : i32
    %scan3A_210:2 = scf.for %scan3A_463 = %scan3A_206 to %scan3A_208 step %scan3A_209 iter_args(%scan3A_464 = %broadcast_in_dim3A_203, %scan3A_465 = %broadcast_in_dim3A_205) -> (vector<16xf32>, vector<16xi32>)  : i32 {
      %get3A = arith.index_cast %scan3A_463 : i32 to index
      %get3A_466 = arith.constant 112 : index
      %get3A_467 = tpu.vector_load %arg5[%get3A, %get3A_466] {strides = array<i32>} : memref<64x256xf32, #tpu.memory_space<vmem>>, vector<1x16xf32>,
      %get3A_468 = vector.shape_cast %get3A_467 : vector<1x16xf32> to vector<16xf32>
      %gt3A = arith.cmpf ogt, %get3A_468, %scan3A_464 : vector<16xf32>
      %broadcast_in_dim3A_469 = vector.broadcast %scan3A_463 : i32 to vector<16xi32>
      %select_n3A = arith.select %gt3A, %broadcast_in_dim3A_469, %scan3A_465 : vector<16xi1>, vector<16xi32>
      %max3A = arith.maximumf %scan3A_464, %get3A_468 : vector<16xf32>
      scf.yield %max3A, %select_n3A : vector<16xf32>, vector<16xi32>
    }
    %scan3A_211 = arith.constant 64 : i32
    %broadcast_in_dim3A_212 = arith.constant 0.000000e+00 : f32
    %broadcast_in_dim3A_213 = vector.broadcast %broadcast_in_dim3A_212 : f32 to vector<16xf32>
    %scan3A_214 = arith.constant 0 : i32
    %scan3A_215 = arith.constant 64 : i32
    %scan3A_216 = arith.addi %scan3A_214, %scan3A_215 : i32
    %scan3A_217 = arith.constant 1 : i32
    %scan3A_218 = scf.for %scan3A_463 = %scan3A_214 to %scan3A_216 step %scan3A_217 iter_args(%scan3A_464 = %broadcast_in_dim3A_213) -> (vector<16xf32>)  : i32 {
      %get3A = arith.index_cast %scan3A_463 : i32 to index
      %get3A_465 = arith.constant 112 : index
      %get3A_466 = tpu.vector_load %arg5[%get3A, %get3A_465] {strides = array<i32>} : memref<64x256xf32, #tpu.memory_space<vmem>>, vector<1x16xf32>,
      %get3A_467 = vector.shape_cast %get3A_466 : vector<1x16xf32> to vector<16xf32>
      %sub3A = arith.subf %get3A_467, %scan3A_210#0 : vector<16xf32>
      %exp3A = math.exp %sub3A : vector<16xf32>
      %add3A_468 = arith.addf %scan3A_464, %exp3A : vector<16xf32>
      scf.yield %add3A_468 : vector<16xf32>
    }
    %scan3A_219 = arith.constant 64 : i32
    %div3A_220 = arith.constant 1.000000e+00 : f32
    %div3A_221 = vector.broadcast %div3A_220 : f32 to vector<16xf32>
    %div3A_222 = arith.divf %div3A_221, %scan3A_218 : vector<16xf32>
    %swap3A_223 = arith.constant 112 : index
    %swap3A_224 = tpu.vector_load %arg6[%swap3A_223] {strides = array<i32>} : memref<256xf32, #tpu.memory_space<vmem>>, vector<16xf32>,
    %swap3A_225 = vector.shape_cast %swap3A_224 : vector<16xf32> to vector<16xf32>
    %swap3A_226 = vector.shape_cast %div3A_222 : vector<16xf32> to vector<16xf32>
    tpu.vector_store %arg6[%swap3A_223], %swap3A_226 {strides = array<i32>} : memref<256xf32, #tpu.memory_space<vmem>>, vector<16xf32>,
    %swap3A_227 = arith.constant 112 : index
    %swap3A_228 = tpu.vector_load %arg7[%swap3A_227] {strides = array<i32>} : memref<256xi32, #tpu.memory_space<vmem>>, vector<16xi32>,
    %swap3A_229 = vector.shape_cast %swap3A_228 : vector<16xi32> to vector<16xi32>
    %swap3A_230 = vector.shape_cast %scan3A_210#1 : vector<16xi32> to vector<16xi32>
    tpu.vector_store %arg7[%swap3A_227], %swap3A_230 {strides = array<i32>} : memref<256xi32, #tpu.memory_space<vmem>>, vector<16xi32>,
    %broadcast_in_dim3A_231 = arith.constant 0xFF800000 : f32
    %broadcast_in_dim3A_232 = vector.broadcast %broadcast_in_dim3A_231 : f32 to vector<16xf32>
    %broadcast_in_dim3A_233 = arith.constant 0 : i32
    %broadcast_in_dim3A_234 = vector.broadcast %broadcast_in_dim3A_233 : i32 to vector<16xi32>
    %scan3A_235 = arith.constant 0 : i32
    %scan3A_236 = arith.constant 64 : i32
    %scan3A_237 = arith.addi %scan3A_235, %scan3A_236 : i32
    %scan3A_238 = arith.constant 1 : i32
    %scan3A_239:2 = scf.for %scan3A_463 = %scan3A_235 to %scan3A_237 step %scan3A_238 iter_args(%scan3A_464 = %broadcast_in_dim3A_232, %scan3A_465 = %broadcast_in_dim3A_234) -> (vector<16xf32>, vector<16xi32>)  : i32 {
      %get3A = arith.index_cast %scan3A_463 : i32 to index
      %get3A_466 = arith.constant 128 : index
      %get3A_467 = tpu.vector_load %arg5[%get3A, %get3A_466] {strides = array<i32>} : memref<64x256xf32, #tpu.memory_space<vmem>>, vector<1x16xf32>,
      %get3A_468 = vector.shape_cast %get3A_467 : vector<1x16xf32> to vector<16xf32>
      %gt3A = arith.cmpf ogt, %get3A_468, %scan3A_464 : vector<16xf32>
      %broadcast_in_dim3A_469 = vector.broadcast %scan3A_463 : i32 to vector<16xi32>
      %select_n3A = arith.select %gt3A, %broadcast_in_dim3A_469, %scan3A_465 : vector<16xi1>, vector<16xi32>
      %max3A = arith.maximumf %scan3A_464, %get3A_468 : vector<16xf32>
      scf.yield %max3A, %select_n3A : vector<16xf32>, vector<16xi32>
    }
    %scan3A_240 = arith.constant 64 : i32
    %broadcast_in_dim3A_241 = arith.constant 0.000000e+00 : f32
    %broadcast_in_dim3A_242 = vector.broadcast %broadcast_in_dim3A_241 : f32 to vector<16xf32>
    %scan3A_243 = arith.constant 0 : i32
    %scan3A_244 = arith.constant 64 : i32
    %scan3A_245 = arith.addi %scan3A_243, %scan3A_244 : i32
    %scan3A_246 = arith.constant 1 : i32
    %scan3A_247 = scf.for %scan3A_463 = %scan3A_243 to %scan3A_245 step %scan3A_246 iter_args(%scan3A_464 = %broadcast_in_dim3A_242) -> (vector<16xf32>)  : i32 {
      %get3A = arith.index_cast %scan3A_463 : i32 to index
      %get3A_465 = arith.constant 128 : index
      %get3A_466 = tpu.vector_load %arg5[%get3A, %get3A_465] {strides = array<i32>} : memref<64x256xf32, #tpu.memory_space<vmem>>, vector<1x16xf32>,
      %get3A_467 = vector.shape_cast %get3A_466 : vector<1x16xf32> to vector<16xf32>
      %sub3A = arith.subf %get3A_467, %scan3A_239#0 : vector<16xf32>
      %exp3A = math.exp %sub3A : vector<16xf32>
      %add3A_468 = arith.addf %scan3A_464, %exp3A : vector<16xf32>
      scf.yield %add3A_468 : vector<16xf32>
    }
    %scan3A_248 = arith.constant 64 : i32
    %div3A_249 = arith.constant 1.000000e+00 : f32
    %div3A_250 = vector.broadcast %div3A_249 : f32 to vector<16xf32>
    %div3A_251 = arith.divf %div3A_250, %scan3A_247 : vector<16xf32>
    %swap3A_252 = arith.constant 128 : index
    %swap3A_253 = tpu.vector_load %arg6[%swap3A_252] {strides = array<i32>} : memref<256xf32, #tpu.memory_space<vmem>>, vector<16xf32>,
    %swap3A_254 = vector.shape_cast %swap3A_253 : vector<16xf32> to vector<16xf32>
    %swap3A_255 = vector.shape_cast %div3A_251 : vector<16xf32> to vector<16xf32>
    tpu.vector_store %arg6[%swap3A_252], %swap3A_255 {strides = array<i32>} : memref<256xf32, #tpu.memory_space<vmem>>, vector<16xf32>,
    %swap3A_256 = arith.constant 128 : index
    %swap3A_257 = tpu.vector_load %arg7[%swap3A_256] {strides = array<i32>} : memref<256xi32, #tpu.memory_space<vmem>>, vector<16xi32>,
    %swap3A_258 = vector.shape_cast %swap3A_257 : vector<16xi32> to vector<16xi32>
    %swap3A_259 = vector.shape_cast %scan3A_239#1 : vector<16xi32> to vector<16xi32>
    tpu.vector_store %arg7[%swap3A_256], %swap3A_259 {strides = array<i32>} : memref<256xi32, #tpu.memory_space<vmem>>, vector<16xi32>,
    %broadcast_in_dim3A_260 = arith.constant 0xFF800000 : f32
    %broadcast_in_dim3A_261 = vector.broadcast %broadcast_in_dim3A_260 : f32 to vector<16xf32>
    %broadcast_in_dim3A_262 = arith.constant 0 : i32
    %broadcast_in_dim3A_263 = vector.broadcast %broadcast_in_dim3A_262 : i32 to vector<16xi32>
    %scan3A_264 = arith.constant 0 : i32
    %scan3A_265 = arith.constant 64 : i32
    %scan3A_266 = arith.addi %scan3A_264, %scan3A_265 : i32
    %scan3A_267 = arith.constant 1 : i32
    %scan3A_268:2 = scf.for %scan3A_463 = %scan3A_264 to %scan3A_266 step %scan3A_267 iter_args(%scan3A_464 = %broadcast_in_dim3A_261, %scan3A_465 = %broadcast_in_dim3A_263) -> (vector<16xf32>, vector<16xi32>)  : i32 {
      %get3A = arith.index_cast %scan3A_463 : i32 to index
      %get3A_466 = arith.constant 144 : index
      %get3A_467 = tpu.vector_load %arg5[%get3A, %get3A_466] {strides = array<i32>} : memref<64x256xf32, #tpu.memory_space<vmem>>, vector<1x16xf32>,
      %get3A_468 = vector.shape_cast %get3A_467 : vector<1x16xf32> to vector<16xf32>
      %gt3A = arith.cmpf ogt, %get3A_468, %scan3A_464 : vector<16xf32>
      %broadcast_in_dim3A_469 = vector.broadcast %scan3A_463 : i32 to vector<16xi32>
      %select_n3A = arith.select %gt3A, %broadcast_in_dim3A_469, %scan3A_465 : vector<16xi1>, vector<16xi32>
      %max3A = arith.maximumf %scan3A_464, %get3A_468 : vector<16xf32>
      scf.yield %max3A, %select_n3A : vector<16xf32>, vector<16xi32>
    }
    %scan3A_269 = arith.constant 64 : i32
    %broadcast_in_dim3A_270 = arith.constant 0.000000e+00 : f32
    %broadcast_in_dim3A_271 = vector.broadcast %broadcast_in_dim3A_270 : f32 to vector<16xf32>
    %scan3A_272 = arith.constant 0 : i32
    %scan3A_273 = arith.constant 64 : i32
    %scan3A_274 = arith.addi %scan3A_272, %scan3A_273 : i32
    %scan3A_275 = arith.constant 1 : i32
    %scan3A_276 = scf.for %scan3A_463 = %scan3A_272 to %scan3A_274 step %scan3A_275 iter_args(%scan3A_464 = %broadcast_in_dim3A_271) -> (vector<16xf32>)  : i32 {
      %get3A = arith.index_cast %scan3A_463 : i32 to index
      %get3A_465 = arith.constant 144 : index
      %get3A_466 = tpu.vector_load %arg5[%get3A, %get3A_465] {strides = array<i32>} : memref<64x256xf32, #tpu.memory_space<vmem>>, vector<1x16xf32>,
      %get3A_467 = vector.shape_cast %get3A_466 : vector<1x16xf32> to vector<16xf32>
      %sub3A = arith.subf %get3A_467, %scan3A_268#0 : vector<16xf32>
      %exp3A = math.exp %sub3A : vector<16xf32>
      %add3A_468 = arith.addf %scan3A_464, %exp3A : vector<16xf32>
      scf.yield %add3A_468 : vector<16xf32>
    }
    %scan3A_277 = arith.constant 64 : i32
    %div3A_278 = arith.constant 1.000000e+00 : f32
    %div3A_279 = vector.broadcast %div3A_278 : f32 to vector<16xf32>
    %div3A_280 = arith.divf %div3A_279, %scan3A_276 : vector<16xf32>
    %swap3A_281 = arith.constant 144 : index
    %swap3A_282 = tpu.vector_load %arg6[%swap3A_281] {strides = array<i32>} : memref<256xf32, #tpu.memory_space<vmem>>, vector<16xf32>,
    %swap3A_283 = vector.shape_cast %swap3A_282 : vector<16xf32> to vector<16xf32>
    %swap3A_284 = vector.shape_cast %div3A_280 : vector<16xf32> to vector<16xf32>
    tpu.vector_store %arg6[%swap3A_281], %swap3A_284 {strides = array<i32>} : memref<256xf32, #tpu.memory_space<vmem>>, vector<16xf32>,
    %swap3A_285 = arith.constant 144 : index
    %swap3A_286 = tpu.vector_load %arg7[%swap3A_285] {strides = array<i32>} : memref<256xi32, #tpu.memory_space<vmem>>, vector<16xi32>,
    %swap3A_287 = vector.shape_cast %swap3A_286 : vector<16xi32> to vector<16xi32>
    %swap3A_288 = vector.shape_cast %scan3A_268#1 : vector<16xi32> to vector<16xi32>
    tpu.vector_store %arg7[%swap3A_285], %swap3A_288 {strides = array<i32>} : memref<256xi32, #tpu.memory_space<vmem>>, vector<16xi32>,
    %broadcast_in_dim3A_289 = arith.constant 0xFF800000 : f32
    %broadcast_in_dim3A_290 = vector.broadcast %broadcast_in_dim3A_289 : f32 to vector<16xf32>
    %broadcast_in_dim3A_291 = arith.constant 0 : i32
    %broadcast_in_dim3A_292 = vector.broadcast %broadcast_in_dim3A_291 : i32 to vector<16xi32>
    %scan3A_293 = arith.constant 0 : i32
    %scan3A_294 = arith.constant 64 : i32
    %scan3A_295 = arith.addi %scan3A_293, %scan3A_294 : i32
    %scan3A_296 = arith.constant 1 : i32
    %scan3A_297:2 = scf.for %scan3A_463 = %scan3A_293 to %scan3A_295 step %scan3A_296 iter_args(%scan3A_464 = %broadcast_in_dim3A_290, %scan3A_465 = %broadcast_in_dim3A_292) -> (vector<16xf32>, vector<16xi32>)  : i32 {
      %get3A = arith.index_cast %scan3A_463 : i32 to index
      %get3A_466 = arith.constant 160 : index
      %get3A_467 = tpu.vector_load %arg5[%get3A, %get3A_466] {strides = array<i32>} : memref<64x256xf32, #tpu.memory_space<vmem>>, vector<1x16xf32>,
      %get3A_468 = vector.shape_cast %get3A_467 : vector<1x16xf32> to vector<16xf32>
      %gt3A = arith.cmpf ogt, %get3A_468, %scan3A_464 : vector<16xf32>
      %broadcast_in_dim3A_469 = vector.broadcast %scan3A_463 : i32 to vector<16xi32>
      %select_n3A = arith.select %gt3A, %broadcast_in_dim3A_469, %scan3A_465 : vector<16xi1>, vector<16xi32>
      %max3A = arith.maximumf %scan3A_464, %get3A_468 : vector<16xf32>
      scf.yield %max3A, %select_n3A : vector<16xf32>, vector<16xi32>
    }
    %scan3A_298 = arith.constant 64 : i32
    %broadcast_in_dim3A_299 = arith.constant 0.000000e+00 : f32
    %broadcast_in_dim3A_300 = vector.broadcast %broadcast_in_dim3A_299 : f32 to vector<16xf32>
    %scan3A_301 = arith.constant 0 : i32
    %scan3A_302 = arith.constant 64 : i32
    %scan3A_303 = arith.addi %scan3A_301, %scan3A_302 : i32
    %scan3A_304 = arith.constant 1 : i32
    %scan3A_305 = scf.for %scan3A_463 = %scan3A_301 to %scan3A_303 step %scan3A_304 iter_args(%scan3A_464 = %broadcast_in_dim3A_300) -> (vector<16xf32>)  : i32 {
      %get3A = arith.index_cast %scan3A_463 : i32 to index
      %get3A_465 = arith.constant 160 : index
      %get3A_466 = tpu.vector_load %arg5[%get3A, %get3A_465] {strides = array<i32>} : memref<64x256xf32, #tpu.memory_space<vmem>>, vector<1x16xf32>,
      %get3A_467 = vector.shape_cast %get3A_466 : vector<1x16xf32> to vector<16xf32>
      %sub3A = arith.subf %get3A_467, %scan3A_297#0 : vector<16xf32>
      %exp3A = math.exp %sub3A : vector<16xf32>
      %add3A_468 = arith.addf %scan3A_464, %exp3A : vector<16xf32>
      scf.yield %add3A_468 : vector<16xf32>
    }
    %scan3A_306 = arith.constant 64 : i32
    %div3A_307 = arith.constant 1.000000e+00 : f32
    %div3A_308 = vector.broadcast %div3A_307 : f32 to vector<16xf32>
    %div3A_309 = arith.divf %div3A_308, %scan3A_305 : vector<16xf32>
    %swap3A_310 = arith.constant 160 : index
    %swap3A_311 = tpu.vector_load %arg6[%swap3A_310] {strides = array<i32>} : memref<256xf32, #tpu.memory_space<vmem>>, vector<16xf32>,
    %swap3A_312 = vector.shape_cast %swap3A_311 : vector<16xf32> to vector<16xf32>
    %swap3A_313 = vector.shape_cast %div3A_309 : vector<16xf32> to vector<16xf32>
    tpu.vector_store %arg6[%swap3A_310], %swap3A_313 {strides = array<i32>} : memref<256xf32, #tpu.memory_space<vmem>>, vector<16xf32>,
    %swap3A_314 = arith.constant 160 : index
    %swap3A_315 = tpu.vector_load %arg7[%swap3A_314] {strides = array<i32>} : memref<256xi32, #tpu.memory_space<vmem>>, vector<16xi32>,
    %swap3A_316 = vector.shape_cast %swap3A_315 : vector<16xi32> to vector<16xi32>
    %swap3A_317 = vector.shape_cast %scan3A_297#1 : vector<16xi32> to vector<16xi32>
    tpu.vector_store %arg7[%swap3A_314], %swap3A_317 {strides = array<i32>} : memref<256xi32, #tpu.memory_space<vmem>>, vector<16xi32>,
    %broadcast_in_dim3A_318 = arith.constant 0xFF800000 : f32
    %broadcast_in_dim3A_319 = vector.broadcast %broadcast_in_dim3A_318 : f32 to vector<16xf32>
    %broadcast_in_dim3A_320 = arith.constant 0 : i32
    %broadcast_in_dim3A_321 = vector.broadcast %broadcast_in_dim3A_320 : i32 to vector<16xi32>
    %scan3A_322 = arith.constant 0 : i32
    %scan3A_323 = arith.constant 64 : i32
    %scan3A_324 = arith.addi %scan3A_322, %scan3A_323 : i32
    %scan3A_325 = arith.constant 1 : i32
    %scan3A_326:2 = scf.for %scan3A_463 = %scan3A_322 to %scan3A_324 step %scan3A_325 iter_args(%scan3A_464 = %broadcast_in_dim3A_319, %scan3A_465 = %broadcast_in_dim3A_321) -> (vector<16xf32>, vector<16xi32>)  : i32 {
      %get3A = arith.index_cast %scan3A_463 : i32 to index
      %get3A_466 = arith.constant 176 : index
      %get3A_467 = tpu.vector_load %arg5[%get3A, %get3A_466] {strides = array<i32>} : memref<64x256xf32, #tpu.memory_space<vmem>>, vector<1x16xf32>,
      %get3A_468 = vector.shape_cast %get3A_467 : vector<1x16xf32> to vector<16xf32>
      %gt3A = arith.cmpf ogt, %get3A_468, %scan3A_464 : vector<16xf32>
      %broadcast_in_dim3A_469 = vector.broadcast %scan3A_463 : i32 to vector<16xi32>
      %select_n3A = arith.select %gt3A, %broadcast_in_dim3A_469, %scan3A_465 : vector<16xi1>, vector<16xi32>
      %max3A = arith.maximumf %scan3A_464, %get3A_468 : vector<16xf32>
      scf.yield %max3A, %select_n3A : vector<16xf32>, vector<16xi32>
    }
    %scan3A_327 = arith.constant 64 : i32
    %broadcast_in_dim3A_328 = arith.constant 0.000000e+00 : f32
    %broadcast_in_dim3A_329 = vector.broadcast %broadcast_in_dim3A_328 : f32 to vector<16xf32>
    %scan3A_330 = arith.constant 0 : i32
    %scan3A_331 = arith.constant 64 : i32
    %scan3A_332 = arith.addi %scan3A_330, %scan3A_331 : i32
    %scan3A_333 = arith.constant 1 : i32
    %scan3A_334 = scf.for %scan3A_463 = %scan3A_330 to %scan3A_332 step %scan3A_333 iter_args(%scan3A_464 = %broadcast_in_dim3A_329) -> (vector<16xf32>)  : i32 {
      %get3A = arith.index_cast %scan3A_463 : i32 to index
      %get3A_465 = arith.constant 176 : index
      %get3A_466 = tpu.vector_load %arg5[%get3A, %get3A_465] {strides = array<i32>} : memref<64x256xf32, #tpu.memory_space<vmem>>, vector<1x16xf32>,
      %get3A_467 = vector.shape_cast %get3A_466 : vector<1x16xf32> to vector<16xf32>
      %sub3A = arith.subf %get3A_467, %scan3A_326#0 : vector<16xf32>
      %exp3A = math.exp %sub3A : vector<16xf32>
      %add3A_468 = arith.addf %scan3A_464, %exp3A : vector<16xf32>
      scf.yield %add3A_468 : vector<16xf32>
    }
    %scan3A_335 = arith.constant 64 : i32
    %div3A_336 = arith.constant 1.000000e+00 : f32
    %div3A_337 = vector.broadcast %div3A_336 : f32 to vector<16xf32>
    %div3A_338 = arith.divf %div3A_337, %scan3A_334 : vector<16xf32>
    %swap3A_339 = arith.constant 176 : index
    %swap3A_340 = tpu.vector_load %arg6[%swap3A_339] {strides = array<i32>} : memref<256xf32, #tpu.memory_space<vmem>>, vector<16xf32>,
    %swap3A_341 = vector.shape_cast %swap3A_340 : vector<16xf32> to vector<16xf32>
    %swap3A_342 = vector.shape_cast %div3A_338 : vector<16xf32> to vector<16xf32>
    tpu.vector_store %arg6[%swap3A_339], %swap3A_342 {strides = array<i32>} : memref<256xf32, #tpu.memory_space<vmem>>, vector<16xf32>,
    %swap3A_343 = arith.constant 176 : index
    %swap3A_344 = tpu.vector_load %arg7[%swap3A_343] {strides = array<i32>} : memref<256xi32, #tpu.memory_space<vmem>>, vector<16xi32>,
    %swap3A_345 = vector.shape_cast %swap3A_344 : vector<16xi32> to vector<16xi32>
    %swap3A_346 = vector.shape_cast %scan3A_326#1 : vector<16xi32> to vector<16xi32>
    tpu.vector_store %arg7[%swap3A_343], %swap3A_346 {strides = array<i32>} : memref<256xi32, #tpu.memory_space<vmem>>, vector<16xi32>,
    %broadcast_in_dim3A_347 = arith.constant 0xFF800000 : f32
    %broadcast_in_dim3A_348 = vector.broadcast %broadcast_in_dim3A_347 : f32 to vector<16xf32>
    %broadcast_in_dim3A_349 = arith.constant 0 : i32
    %broadcast_in_dim3A_350 = vector.broadcast %broadcast_in_dim3A_349 : i32 to vector<16xi32>
    %scan3A_351 = arith.constant 0 : i32
    %scan3A_352 = arith.constant 64 : i32
    %scan3A_353 = arith.addi %scan3A_351, %scan3A_352 : i32
    %scan3A_354 = arith.constant 1 : i32
    %scan3A_355:2 = scf.for %scan3A_463 = %scan3A_351 to %scan3A_353 step %scan3A_354 iter_args(%scan3A_464 = %broadcast_in_dim3A_348, %scan3A_465 = %broadcast_in_dim3A_350) -> (vector<16xf32>, vector<16xi32>)  : i32 {
      %get3A = arith.index_cast %scan3A_463 : i32 to index
      %get3A_466 = arith.constant 192 : index
      %get3A_467 = tpu.vector_load %arg5[%get3A, %get3A_466] {strides = array<i32>} : memref<64x256xf32, #tpu.memory_space<vmem>>, vector<1x16xf32>,
      %get3A_468 = vector.shape_cast %get3A_467 : vector<1x16xf32> to vector<16xf32>
      %gt3A = arith.cmpf ogt, %get3A_468, %scan3A_464 : vector<16xf32>
      %broadcast_in_dim3A_469 = vector.broadcast %scan3A_463 : i32 to vector<16xi32>
      %select_n3A = arith.select %gt3A, %broadcast_in_dim3A_469, %scan3A_465 : vector<16xi1>, vector<16xi32>
      %max3A = arith.maximumf %scan3A_464, %get3A_468 : vector<16xf32>
      scf.yield %max3A, %select_n3A : vector<16xf32>, vector<16xi32>
    }
    %scan3A_356 = arith.constant 64 : i32
    %broadcast_in_dim3A_357 = arith.constant 0.000000e+00 : f32
    %broadcast_in_dim3A_358 = vector.broadcast %broadcast_in_dim3A_357 : f32 to vector<16xf32>
    %scan3A_359 = arith.constant 0 : i32
    %scan3A_360 = arith.constant 64 : i32
    %scan3A_361 = arith.addi %scan3A_359, %scan3A_360 : i32
    %scan3A_362 = arith.constant 1 : i32
    %scan3A_363 = scf.for %scan3A_463 = %scan3A_359 to %scan3A_361 step %scan3A_362 iter_args(%scan3A_464 = %broadcast_in_dim3A_358) -> (vector<16xf32>)  : i32 {
      %get3A = arith.index_cast %scan3A_463 : i32 to index
      %get3A_465 = arith.constant 192 : index
      %get3A_466 = tpu.vector_load %arg5[%get3A, %get3A_465] {strides = array<i32>} : memref<64x256xf32, #tpu.memory_space<vmem>>, vector<1x16xf32>,
      %get3A_467 = vector.shape_cast %get3A_466 : vector<1x16xf32> to vector<16xf32>
      %sub3A = arith.subf %get3A_467, %scan3A_355#0 : vector<16xf32>
      %exp3A = math.exp %sub3A : vector<16xf32>
      %add3A_468 = arith.addf %scan3A_464, %exp3A : vector<16xf32>
      scf.yield %add3A_468 : vector<16xf32>
    }
    %scan3A_364 = arith.constant 64 : i32
    %div3A_365 = arith.constant 1.000000e+00 : f32
    %div3A_366 = vector.broadcast %div3A_365 : f32 to vector<16xf32>
    %div3A_367 = arith.divf %div3A_366, %scan3A_363 : vector<16xf32>
    %swap3A_368 = arith.constant 192 : index
    %swap3A_369 = tpu.vector_load %arg6[%swap3A_368] {strides = array<i32>} : memref<256xf32, #tpu.memory_space<vmem>>, vector<16xf32>,
    %swap3A_370 = vector.shape_cast %swap3A_369 : vector<16xf32> to vector<16xf32>
    %swap3A_371 = vector.shape_cast %div3A_367 : vector<16xf32> to vector<16xf32>
    tpu.vector_store %arg6[%swap3A_368], %swap3A_371 {strides = array<i32>} : memref<256xf32, #tpu.memory_space<vmem>>, vector<16xf32>,
    %swap3A_372 = arith.constant 192 : index
    %swap3A_373 = tpu.vector_load %arg7[%swap3A_372] {strides = array<i32>} : memref<256xi32, #tpu.memory_space<vmem>>, vector<16xi32>,
    %swap3A_374 = vector.shape_cast %swap3A_373 : vector<16xi32> to vector<16xi32>
    %swap3A_375 = vector.shape_cast %scan3A_355#1 : vector<16xi32> to vector<16xi32>
    tpu.vector_store %arg7[%swap3A_372], %swap3A_375 {strides = array<i32>} : memref<256xi32, #tpu.memory_space<vmem>>, vector<16xi32>,
    %broadcast_in_dim3A_376 = arith.constant 0xFF800000 : f32
    %broadcast_in_dim3A_377 = vector.broadcast %broadcast_in_dim3A_376 : f32 to vector<16xf32>
    %broadcast_in_dim3A_378 = arith.constant 0 : i32
    %broadcast_in_dim3A_379 = vector.broadcast %broadcast_in_dim3A_378 : i32 to vector<16xi32>
    %scan3A_380 = arith.constant 0 : i32
    %scan3A_381 = arith.constant 64 : i32
    %scan3A_382 = arith.addi %scan3A_380, %scan3A_381 : i32
    %scan3A_383 = arith.constant 1 : i32
    %scan3A_384:2 = scf.for %scan3A_463 = %scan3A_380 to %scan3A_382 step %scan3A_383 iter_args(%scan3A_464 = %broadcast_in_dim3A_377, %scan3A_465 = %broadcast_in_dim3A_379) -> (vector<16xf32>, vector<16xi32>)  : i32 {
      %get3A = arith.index_cast %scan3A_463 : i32 to index
      %get3A_466 = arith.constant 208 : index
      %get3A_467 = tpu.vector_load %arg5[%get3A, %get3A_466] {strides = array<i32>} : memref<64x256xf32, #tpu.memory_space<vmem>>, vector<1x16xf32>,
      %get3A_468 = vector.shape_cast %get3A_467 : vector<1x16xf32> to vector<16xf32>
      %gt3A = arith.cmpf ogt, %get3A_468, %scan3A_464 : vector<16xf32>
      %broadcast_in_dim3A_469 = vector.broadcast %scan3A_463 : i32 to vector<16xi32>
      %select_n3A = arith.select %gt3A, %broadcast_in_dim3A_469, %scan3A_465 : vector<16xi1>, vector<16xi32>
      %max3A = arith.maximumf %scan3A_464, %get3A_468 : vector<16xf32>
      scf.yield %max3A, %select_n3A : vector<16xf32>, vector<16xi32>
    }
    %scan3A_385 = arith.constant 64 : i32
    %broadcast_in_dim3A_386 = arith.constant 0.000000e+00 : f32
    %broadcast_in_dim3A_387 = vector.broadcast %broadcast_in_dim3A_386 : f32 to vector<16xf32>
    %scan3A_388 = arith.constant 0 : i32
    %scan3A_389 = arith.constant 64 : i32
    %scan3A_390 = arith.addi %scan3A_388, %scan3A_389 : i32
    %scan3A_391 = arith.constant 1 : i32
    %scan3A_392 = scf.for %scan3A_463 = %scan3A_388 to %scan3A_390 step %scan3A_391 iter_args(%scan3A_464 = %broadcast_in_dim3A_387) -> (vector<16xf32>)  : i32 {
      %get3A = arith.index_cast %scan3A_463 : i32 to index
      %get3A_465 = arith.constant 208 : index
      %get3A_466 = tpu.vector_load %arg5[%get3A, %get3A_465] {strides = array<i32>} : memref<64x256xf32, #tpu.memory_space<vmem>>, vector<1x16xf32>,
      %get3A_467 = vector.shape_cast %get3A_466 : vector<1x16xf32> to vector<16xf32>
      %sub3A = arith.subf %get3A_467, %scan3A_384#0 : vector<16xf32>
      %exp3A = math.exp %sub3A : vector<16xf32>
      %add3A_468 = arith.addf %scan3A_464, %exp3A : vector<16xf32>
      scf.yield %add3A_468 : vector<16xf32>
    }
    %scan3A_393 = arith.constant 64 : i32
    %div3A_394 = arith.constant 1.000000e+00 : f32
    %div3A_395 = vector.broadcast %div3A_394 : f32 to vector<16xf32>
    %div3A_396 = arith.divf %div3A_395, %scan3A_392 : vector<16xf32>
    %swap3A_397 = arith.constant 208 : index
    %swap3A_398 = tpu.vector_load %arg6[%swap3A_397] {strides = array<i32>} : memref<256xf32, #tpu.memory_space<vmem>>, vector<16xf32>,
    %swap3A_399 = vector.shape_cast %swap3A_398 : vector<16xf32> to vector<16xf32>
    %swap3A_400 = vector.shape_cast %div3A_396 : vector<16xf32> to vector<16xf32>
    tpu.vector_store %arg6[%swap3A_397], %swap3A_400 {strides = array<i32>} : memref<256xf32, #tpu.memory_space<vmem>>, vector<16xf32>,
    %swap3A_401 = arith.constant 208 : index
    %swap3A_402 = tpu.vector_load %arg7[%swap3A_401] {strides = array<i32>} : memref<256xi32, #tpu.memory_space<vmem>>, vector<16xi32>,
    %swap3A_403 = vector.shape_cast %swap3A_402 : vector<16xi32> to vector<16xi32>
    %swap3A_404 = vector.shape_cast %scan3A_384#1 : vector<16xi32> to vector<16xi32>
    tpu.vector_store %arg7[%swap3A_401], %swap3A_404 {strides = array<i32>} : memref<256xi32, #tpu.memory_space<vmem>>, vector<16xi32>,
    %broadcast_in_dim3A_405 = arith.constant 0xFF800000 : f32
    %broadcast_in_dim3A_406 = vector.broadcast %broadcast_in_dim3A_405 : f32 to vector<16xf32>
    %broadcast_in_dim3A_407 = arith.constant 0 : i32
    %broadcast_in_dim3A_408 = vector.broadcast %broadcast_in_dim3A_407 : i32 to vector<16xi32>
    %scan3A_409 = arith.constant 0 : i32
    %scan3A_410 = arith.constant 64 : i32
    %scan3A_411 = arith.addi %scan3A_409, %scan3A_410 : i32
    %scan3A_412 = arith.constant 1 : i32
    %scan3A_413:2 = scf.for %scan3A_463 = %scan3A_409 to %scan3A_411 step %scan3A_412 iter_args(%scan3A_464 = %broadcast_in_dim3A_406, %scan3A_465 = %broadcast_in_dim3A_408) -> (vector<16xf32>, vector<16xi32>)  : i32 {
      %get3A = arith.index_cast %scan3A_463 : i32 to index
      %get3A_466 = arith.constant 224 : index
      %get3A_467 = tpu.vector_load %arg5[%get3A, %get3A_466] {strides = array<i32>} : memref<64x256xf32, #tpu.memory_space<vmem>>, vector<1x16xf32>,
      %get3A_468 = vector.shape_cast %get3A_467 : vector<1x16xf32> to vector<16xf32>
      %gt3A = arith.cmpf ogt, %get3A_468, %scan3A_464 : vector<16xf32>
      %broadcast_in_dim3A_469 = vector.broadcast %scan3A_463 : i32 to vector<16xi32>
      %select_n3A = arith.select %gt3A, %broadcast_in_dim3A_469, %scan3A_465 : vector<16xi1>, vector<16xi32>
      %max3A = arith.maximumf %scan3A_464, %get3A_468 : vector<16xf32>
      scf.yield %max3A, %select_n3A : vector<16xf32>, vector<16xi32>
    }
    %scan3A_414 = arith.constant 64 : i32
    %broadcast_in_dim3A_415 = arith.constant 0.000000e+00 : f32
    %broadcast_in_dim3A_416 = vector.broadcast %broadcast_in_dim3A_415 : f32 to vector<16xf32>
    %scan3A_417 = arith.constant 0 : i32
    %scan3A_418 = arith.constant 64 : i32
    %scan3A_419 = arith.addi %scan3A_417, %scan3A_418 : i32
    %scan3A_420 = arith.constant 1 : i32
    %scan3A_421 = scf.for %scan3A_463 = %scan3A_417 to %scan3A_419 step %scan3A_420 iter_args(%scan3A_464 = %broadcast_in_dim3A_416) -> (vector<16xf32>)  : i32 {
      %get3A = arith.index_cast %scan3A_463 : i32 to index
      %get3A_465 = arith.constant 224 : index
      %get3A_466 = tpu.vector_load %arg5[%get3A, %get3A_465] {strides = array<i32>} : memref<64x256xf32, #tpu.memory_space<vmem>>, vector<1x16xf32>,
      %get3A_467 = vector.shape_cast %get3A_466 : vector<1x16xf32> to vector<16xf32>
      %sub3A = arith.subf %get3A_467, %scan3A_413#0 : vector<16xf32>
      %exp3A = math.exp %sub3A : vector<16xf32>
      %add3A_468 = arith.addf %scan3A_464, %exp3A : vector<16xf32>
      scf.yield %add3A_468 : vector<16xf32>
    }
    %scan3A_422 = arith.constant 64 : i32
    %div3A_423 = arith.constant 1.000000e+00 : f32
    %div3A_424 = vector.broadcast %div3A_423 : f32 to vector<16xf32>
    %div3A_425 = arith.divf %div3A_424, %scan3A_421 : vector<16xf32>
    %swap3A_426 = arith.constant 224 : index
    %swap3A_427 = tpu.vector_load %arg6[%swap3A_426] {strides = array<i32>} : memref<256xf32, #tpu.memory_space<vmem>>, vector<16xf32>,
    %swap3A_428 = vector.shape_cast %swap3A_427 : vector<16xf32> to vector<16xf32>
    %swap3A_429 = vector.shape_cast %div3A_425 : vector<16xf32> to vector<16xf32>
    tpu.vector_store %arg6[%swap3A_426], %swap3A_429 {strides = array<i32>} : memref<256xf32, #tpu.memory_space<vmem>>, vector<16xf32>,
    %swap3A_430 = arith.constant 224 : index
    %swap3A_431 = tpu.vector_load %arg7[%swap3A_430] {strides = array<i32>} : memref<256xi32, #tpu.memory_space<vmem>>, vector<16xi32>,
    %swap3A_432 = vector.shape_cast %swap3A_431 : vector<16xi32> to vector<16xi32>
    %swap3A_433 = vector.shape_cast %scan3A_413#1 : vector<16xi32> to vector<16xi32>
    tpu.vector_store %arg7[%swap3A_430], %swap3A_433 {strides = array<i32>} : memref<256xi32, #tpu.memory_space<vmem>>, vector<16xi32>,
    %broadcast_in_dim3A_434 = arith.constant 0xFF800000 : f32
    %broadcast_in_dim3A_435 = vector.broadcast %broadcast_in_dim3A_434 : f32 to vector<16xf32>
    %broadcast_in_dim3A_436 = arith.constant 0 : i32
    %broadcast_in_dim3A_437 = vector.broadcast %broadcast_in_dim3A_436 : i32 to vector<16xi32>
    %scan3A_438 = arith.constant 0 : i32
    %scan3A_439 = arith.constant 64 : i32
    %scan3A_440 = arith.addi %scan3A_438, %scan3A_439 : i32
    %scan3A_441 = arith.constant 1 : i32
    %scan3A_442:2 = scf.for %scan3A_463 = %scan3A_438 to %scan3A_440 step %scan3A_441 iter_args(%scan3A_464 = %broadcast_in_dim3A_435, %scan3A_465 = %broadcast_in_dim3A_437) -> (vector<16xf32>, vector<16xi32>)  : i32 {
      %get3A = arith.index_cast %scan3A_463 : i32 to index
      %get3A_466 = arith.constant 240 : index
      %get3A_467 = tpu.vector_load %arg5[%get3A, %get3A_466] {strides = array<i32>} : memref<64x256xf32, #tpu.memory_space<vmem>>, vector<1x16xf32>,
      %get3A_468 = vector.shape_cast %get3A_467 : vector<1x16xf32> to vector<16xf32>
      %gt3A = arith.cmpf ogt, %get3A_468, %scan3A_464 : vector<16xf32>
      %broadcast_in_dim3A_469 = vector.broadcast %scan3A_463 : i32 to vector<16xi32>
      %select_n3A = arith.select %gt3A, %broadcast_in_dim3A_469, %scan3A_465 : vector<16xi1>, vector<16xi32>
      %max3A = arith.maximumf %scan3A_464, %get3A_468 : vector<16xf32>
      scf.yield %max3A, %select_n3A : vector<16xf32>, vector<16xi32>
    }
    %scan3A_443 = arith.constant 64 : i32
    %broadcast_in_dim3A_444 = arith.constant 0.000000e+00 : f32
    %broadcast_in_dim3A_445 = vector.broadcast %broadcast_in_dim3A_444 : f32 to vector<16xf32>
    %scan3A_446 = arith.constant 0 : i32
    %scan3A_447 = arith.constant 64 : i32
    %scan3A_448 = arith.addi %scan3A_446, %scan3A_447 : i32
    %scan3A_449 = arith.constant 1 : i32
    %scan3A_450 = scf.for %scan3A_463 = %scan3A_446 to %scan3A_448 step %scan3A_449 iter_args(%scan3A_464 = %broadcast_in_dim3A_445) -> (vector<16xf32>)  : i32 {
      %get3A = arith.index_cast %scan3A_463 : i32 to index
      %get3A_465 = arith.constant 240 : index
      %get3A_466 = tpu.vector_load %arg5[%get3A, %get3A_465] {strides = array<i32>} : memref<64x256xf32, #tpu.memory_space<vmem>>, vector<1x16xf32>,
      %get3A_467 = vector.shape_cast %get3A_466 : vector<1x16xf32> to vector<16xf32>
      %sub3A = arith.subf %get3A_467, %scan3A_442#0 : vector<16xf32>
      %exp3A = math.exp %sub3A : vector<16xf32>
      %add3A_468 = arith.addf %scan3A_464, %exp3A : vector<16xf32>
      scf.yield %add3A_468 : vector<16xf32>
    }
    %scan3A_451 = arith.constant 64 : i32
    %div3A_452 = arith.constant 1.000000e+00 : f32
    %div3A_453 = vector.broadcast %div3A_452 : f32 to vector<16xf32>
    %div3A_454 = arith.divf %div3A_453, %scan3A_450 : vector<16xf32>
    %swap3A_455 = arith.constant 240 : index
    %swap3A_456 = tpu.vector_load %arg6[%swap3A_455] {strides = array<i32>} : memref<256xf32, #tpu.memory_space<vmem>>, vector<16xf32>,
    %swap3A_457 = vector.shape_cast %swap3A_456 : vector<16xf32> to vector<16xf32>
    %swap3A_458 = vector.shape_cast %div3A_454 : vector<16xf32> to vector<16xf32>
    tpu.vector_store %arg6[%swap3A_455], %swap3A_458 {strides = array<i32>} : memref<256xf32, #tpu.memory_space<vmem>>, vector<16xf32>,
    %swap3A_459 = arith.constant 240 : index
    %swap3A_460 = tpu.vector_load %arg7[%swap3A_459] {strides = array<i32>} : memref<256xi32, #tpu.memory_space<vmem>>, vector<16xi32>,
    %swap3A_461 = vector.shape_cast %swap3A_460 : vector<16xi32> to vector<16xi32>
    %swap3A_462 = vector.shape_cast %scan3A_442#1 : vector<16xi32> to vector<16xi32>
    tpu.vector_store %arg7[%swap3A_459], %swap3A_462 {strides = array<i32>} : memref<256xi32, #tpu.memory_space<vmem>>, vector<16xi32>,
    "tpu.region"() ({
      %run_scoped3A = tpu.sem_alloc : memref<!tpu.dma_semaphore, #tpu.memory_space<semaphore_mem>>
      %dma_start3A = tpu.memref_slice %arg3[%mul3A_2] : memref<8192xf32, #tpu.memory_space<hbm>> -> memref<256xf32, #tpu.memory_space<hbm>>
      %dma_start3A_463 = tpu.memref_slice %arg3[%mul3A_2] : memref<8192xf32, #tpu.memory_space<hbm>> -> memref<256xf32, #tpu.memory_space<hbm>>
      tpu.enqueue_dma source(%arg6 : memref<256xf32, #tpu.memory_space<vmem>>) target(%dma_start3A_463 : memref<256xf32, #tpu.memory_space<hbm>>) target_semaphore(%run_scoped3A : memref<!tpu.dma_semaphore, #tpu.memory_space<semaphore_mem>>)
      %dma_wait3A = tpu.memref_slice %arg3[%mul3A_2] : memref<8192xf32, #tpu.memory_space<hbm>> -> memref<256xf32, #tpu.memory_space<hbm>>
      %dma_wait3A_464 = tpu.memref_slice %arg3[%mul3A_2] : memref<8192xf32, #tpu.memory_space<hbm>> -> memref<256xf32, #tpu.memory_space<hbm>>
      tpu.wait_dma2 semaphore(%run_scoped3A : memref<!tpu.dma_semaphore, #tpu.memory_space<semaphore_mem>>) src(%arg6 : memref<256xf32, #tpu.memory_space<vmem>>) dst(%dma_wait3A_464 : memref<256xf32, #tpu.memory_space<hbm>>)
      tpu.yield
    }) : () -> ()
    "tpu.region"() ({
      %run_scoped3A = tpu.sem_alloc : memref<!tpu.dma_semaphore, #tpu.memory_space<semaphore_mem>>
      %dma_start3A = tpu.memref_slice %arg4[%mul3A_2] : memref<8192xi32, #tpu.memory_space<hbm>> -> memref<256xi32, #tpu.memory_space<hbm>>
      %dma_start3A_463 = tpu.memref_slice %arg4[%mul3A_2] : memref<8192xi32, #tpu.memory_space<hbm>> -> memref<256xi32, #tpu.memory_space<hbm>>
      tpu.enqueue_dma source(%arg7 : memref<256xi32, #tpu.memory_space<vmem>>) target(%dma_start3A_463 : memref<256xi32, #tpu.memory_space<hbm>>) target_semaphore(%run_scoped3A : memref<!tpu.dma_semaphore, #tpu.memory_space<semaphore_mem>>)
      %dma_wait3A = tpu.memref_slice %arg4[%mul3A_2] : memref<8192xi32, #tpu.memory_space<hbm>> -> memref<256xi32, #tpu.memory_space<hbm>>
      %dma_wait3A_464 = tpu.memref_slice %arg4[%mul3A_2] : memref<8192xi32, #tpu.memory_space<hbm>> -> memref<256xi32, #tpu.memory_space<hbm>>
      tpu.wait_dma2 semaphore(%run_scoped3A : memref<!tpu.dma_semaphore, #tpu.memory_space<semaphore_mem>>) src(%arg7 : memref<256xi32, #tpu.memory_space<vmem>>) dst(%dma_wait3A_464 : memref<256xi32, #tpu.memory_space<hbm>>)
      tpu.yield
    }) : () -> ()
    return
  }
}

module attributes {stable_mosaic.version = 14 : i64} {
  func.func @_logits_blk(%arg0: i32, %arg1: memref<512x4096xf32, #tpu.memory_space<vmem>>, %arg2: memref<64x4096xf32, #tpu.memory_space<vmem>>, %arg3: memref<64x512xf32, #tpu.memory_space<vmem>>) attributes {dimension_semantics = [#tpu.dimension_semantics<arbitrary>], iteration_bounds = array<i64: 16>, scalar_prefetch = 0 : i64, scratch_operands = 0 : i64, tpu.core_type = #tpu.core_type<tc>, window_params = [{transform_indices = @transform_0, window_bounds = array<i64: 512, 4096>}, {pipeline_mode = #tpu.pipeline_mode<synchronous>, transform_indices = @transform_1, window_bounds = array<i64: 64, 4096>}, {transform_indices = @transform_2, window_bounds = array<i64: 64, 512>}]} {
    %get3A = arith.constant 0 : index
    %get3A_0 = arith.constant 0 : index
    %get3A_1 = vector.load %arg2[%get3A, %get3A_0] : memref<64x4096xf32, #tpu.memory_space<vmem>>, vector<64x4096xf32>
    %get3A_2 = arith.constant 0 : index
    %get3A_3 = arith.constant 0 : index
    %get3A_4 = vector.load %arg1[%get3A_2, %get3A_3] : memref<512x4096xf32, #tpu.memory_space<vmem>>, vector<512x4096xf32>
    %dot_general3A = arith.constant dense<0.000000e+00> : vector<64x512xf32>
    %dot_general3A_5 = tpu.matmul %get3A_1, %get3A_4, %dot_general3A {dimension_numbers = #tpu.dot_dimension_numbers<[1], [1], [0], [0], [0, 0, 1, 0], [], []>, transpose_lhs_hint = false} : vector<64x4096xf32>, vector<512x4096xf32>, vector<64x512xf32> -> vector<64x512xf32>
    %swap3A = arith.constant 0 : index
    %swap3A_6 = arith.constant 0 : index
    %swap3A_7 = vector.load %arg3[%swap3A, %swap3A_6] : memref<64x512xf32, #tpu.memory_space<vmem>>, vector<64x512xf32>
    tpu.vector_store %arg3[%swap3A, %swap3A_6], %dot_general3A_5 {strides = array<i32>} : memref<64x512xf32, #tpu.memory_space<vmem>>, vector<64x512xf32>,
    return
  }
  func.func @transform_0(%arg0: i32) -> (i32, i32) {
    %c0_i32 = arith.constant 0 : i32
    %c0_i32_0 = arith.constant 0 : i32
    return %arg0, %c0_i32 : i32, i32
  }
  func.func @transform_1(%arg0: i32) -> (i32, i32) {
    %c0_i32 = arith.constant 0 : i32
    %c0_i32_0 = arith.constant 0 : i32
    %c0_i32_1 = arith.constant 0 : i32
    return %c0_i32, %c0_i32_0 : i32, i32
  }
  func.func @transform_2(%arg0: i32) -> (i32, i32) {
    %c0_i32 = arith.constant 0 : i32
    %c0_i32_0 = arith.constant 0 : i32
    return %c0_i32, %arg0 : i32, i32
  }
}

</mosaic_0001>

<sc_bundles>
// kernel: kernel.4.cloned.1.call-start
scs
__scs_entry_jumppad:
0x0: {  	(pc) =	sbr.rel $0x88, $3  }
0x1: {  	(tag) =	ssettag $0x0;
	lr =	simm.s32 $0x1  }
0x2: {  	[smem:$0x3F9F] =	sst lr;
	_ =	strace $0xD0000000  }
0x3: {  	_ = 	snop  }
0x4: {  	_ = 	snop  }
0x5: {  	_ = 	snop  }
0x6: {  	_ = 	snop  }
0x7: {  	_ = 	snop  }
__scs_overlays_trampoline_lowered:
0x8: {  	[smem:$0x3FAE] =	sst s0  }
0x9: {  	[smem:$0x3FAF] =	sst s1  }
0xa: {  	[smem:$0x3FB0] =	sst s2  }
0xb: {  	[smem:$0x3FB1] =	sst s3  }
0xc: {  	[smem:$0x3FB2] =	sst s4  }
0xd: {  	[smem:$0x3FB3] =	sst s5  }
0xe: {  	[smem:$0x3FB4] =	sst s6  }
0xf: {  	[smem:$0x3FB5] =	sst s7  }
0x10: {  	[smem:$0x3FB6] =	sst s8  }
0x11: {  	[smem:$0x3FB7] =	sst s9;
	s0 =	simm.s32 @!p0 $0x0  }
0x12: {  	s1 =	sld [smem:$0x3F9D];
	s0 =	simm.s32 @p0 $0x1  }
0x13: {  	[smem:$0x3FB8] =	sst s0;
	s0 =	simm.s32 @!p1 $0x0  }
0x14: {  	s2 =	sld [smem:$0x3F9C];
	s0 =	simm.s32 @p1 $0x1  }
0x15: {  	[smem:$0x3FB9] =	sst s0;
	s0 =	simm.s32 @!p2 $0x0  }
0x16: {  	s3 =	sld [smem:$0x3FDB];
	s0 =	simm.s32 @p2 $0x1  }
0x17: {  	s4 =	simm.s32 $0x1BF5;
	[smem:$0x3FBB] =	sst s0  }
0x18: {  	s0 =	sld [smem:$0x3F9E];
	_ =	swait.ge [sflag:s4], $0x0  }
0x19: {  	s7 =	sld [smem:$0x3F9F]  }
0x1a: {  	s8 =	sadd.s32 $0xFFFFE003, lr  }
0x1b: {  	s9 =	sadd.s32 $0xFFFFFEF7, lr;
	s5 =	simm.s32 $0xFFFFFFFF;
	p2 =	slt.u32 s8, $0xFFFFF086  }
0x1c: {  	p1 =	slt.u32 s9, $0xF7A;
	s5 =	simm.s32 @!p2 $0x0  }
0x1d: {  	s5 =	simm.s32 @p1 $0x1;
	p0 =	seq.s32 s7, s2  }
0x1e: {  	s7 =	smul.u32 @!p0 $0xF7A, s2;
	p2 =	seq.s32 @!p0 s5, $0x0  }
0x1f: {  	s9 =	smul.u32 $0xF7A, s1;
	s8 =	simm.s32 @!p0 $0x1BF5;
	p2 =	por !p2, p0  }
0x20: {  	[sflag:s8] =	ssyncset.s32 @!p0 $0xFFFFF086;
	s6 =	sadd.s32 @!p0 s3, s7;
	s7 =	simm.s32 @!p0 $0x108  }
0x21: {  	s3 =	sadd.s32 s3, s9;
	s6 =	sadd.s32 @!p0 $0x88, s6;
	s7 =	simm.s32 @p2 $0x1082  }
0x22: {  	[simem:s7], [sflag:s8] =	dma.local @!p0 [hbm:s6], $0xF7A  }
0x23: {  	s9 =	sor.u32 $0xD0000000, s2;
	s6 =	simm.s32 $0x108;
	_ =	swait.ge @!p0 [sflag:s8], $0x0  }
0x24: {  	s3 =	sadd.s32 $0x88, s3;
	s6 =	simm.s32 @!p1 $0x1082;
	[sflag:s4] =	ssyncset.s32 $0xFFFFF086  }
0x25: {  	[simem:s6], [sflag:s4] =	dma.local [hbm:s3], $0xF7A  }
0x26: {  	[smem:$0x3F9F] =	sst s1;
	(tag) =	ssettag s2;
	_ =	strace s9  }
0x27: {  	s1 =	sld [smem:$0x3FAF]  }
0x28: {  	s2 =	sld [smem:$0x3FB0]  }
0x29: {  	s4 =	sld [smem:$0x3FB2]  }
0x2a: {  	p0 =	seq.s32 s5, $0x0;
	s5 =	sld [smem:$0x3FB3]  }
0x2b: {  	s6 =	sld [smem:$0x3FB4]  }
0x2c: {  	s7 =	sld [smem:$0x3FB5]  }
0x2d: {  	s3 =	simm.s32 $0x108;
	s8 =	sld [smem:$0x3FB6]  }
0x2e: {  	s3 =	simm.s32 @!p0 $0x1082;
	s9 =	sld [smem:$0x3FB7]  }
0x2f: {  	lr =	sadd.s32 s0, s3;
	s0 =	sld [smem:$0x3FAE]  }
0x30: {  	s3 =	sld [smem:$0x3FB1]  }
0x31: {  	[smem:$0x3FBA] =	sst s10  }
0x32: {  	s10 =	sld [smem:$0x3FB8];
	_ =	sdelay $0x3  }
0x33: {  	p0 =	seq.s32 s10, $0x1;
	s10 =	sld [smem:$0x3FBA];
	_ =	sdelay $0x3  }
0x34: {  	[smem:$0x3FBA] =	sst s10  }
0x35: {  	s10 =	sld [smem:$0x3FB9];
	_ =	sdelay $0x3  }
0x36: {  	p1 =	seq.s32 s10, $0x1;
	s10 =	sld [smem:$0x3FBA];
	_ =	sdelay $0x3  }
0x37: {  	[smem:$0x3FBA] =	sst s10  }
0x38: {  	s10 =	sld [smem:$0x3FBB]  }
0x39: {  	_ = 	snop;
	(pc) =	sbr.ind lr, $3  }
0x3a: {  	_ = 	snop  }
0x3b: {  	_ = 	snop  }
0x3c: {  	p2 =	seq.s32 s10, $0x1;
	s10 =	sld [smem:$0x3FBA]  }
0x3d: {  	_ =	shalt  }
0x3e: {  	_ =	shalt  }
0x3f: {  	_ =	shalt  }
0x40: {  	_ =	shalt  }
0x41: {  	_ =	shalt  }
0x42: {  	_ =	shalt  }
0x43: {  	_ =	shalt  }
0x44: {  	_ =	shalt  }
0x45: {  	_ =	shalt  }
0x46: {  	_ =	shalt  }
0x47: {  	_ =	shalt  }
0x48: {  	_ =	shalt  }
0x49: {  	_ =	shalt  }
0x4a: {  	_ =	shalt  }
0x4b: {  	_ =	shalt  }
0x4c: {  	_ =	shalt  }
0x4d: {  	_ =	shalt  }
0x4e: {  	_ =	shalt  }
0x4f: {  	_ =	shalt  }
0x50: {  	_ =	shalt  }
0x51: {  	_ =	shalt  }
0x52: {  	_ =	shalt  }
0x53: {  	_ =	shalt  }
0x54: {  	_ =	shalt  }
0x55: {  	_ =	shalt  }
0x56: {  	_ =	shalt  }
0x57: {  	_ =	shalt  }
0x58: {  	_ =	shalt  }
0x59: {  	_ =	shalt  }
0x5a: {  	_ =	shalt  }
0x5b: {  	_ =	shalt  }
0x5c: {  	_ =	shalt  }
0x5d: {  	_ =	shalt  }
0x5e: {  	_ =	shalt  }
0x5f: {  	_ =	shalt  }
0x60: {  	_ =	shalt  }
0x61: {  	_ =	shalt  }
0x62: {  	_ =	shalt  }
0x63: {  	_ =	shalt  }
0x64: {  	_ =	shalt  }
0x65: {  	_ =	shalt  }
0x66: {  	_ =	shalt  }
0x67: {  	_ =	shalt  }
0x68: {  	_ =	shalt  }
0x69: {  	_ =	shalt  }
0x6a: {  	_ =	shalt  }
0x6b: {  	_ =	shalt  }
0x6c: {  	_ =	shalt  }
0x6d: {  	_ =	shalt  }
0x6e: {  	_ =	shalt  }
0x6f: {  	_ =	shalt  }
0x70: {  	_ =	shalt  }
0x71: {  	_ =	shalt  }
0x72: {  	_ =	shalt  }
0x73: {  	_ =	shalt  }
0x74: {  	_ =	shalt  }
0x75: {  	_ =	shalt  }
0x76: {  	_ =	shalt  }
0x77: {  	_ =	shalt  }
0x78: {  	_ =	shalt  }
0x79: {  	_ =	shalt  }
0x7a: {  	_ =	shalt  }
0x7b: {  	_ =	shalt  }
0x7c: {  	_ =	shalt  }
0x7d: {  	_ =	shalt  }
0x7e: {  	_ =	shalt  }
0x7f: {  	_ =	shalt  }
0x80: {  	_ =	shalt  }
0x81: {  	_ =	shalt  }
0x82: {  	_ =	shalt  }
0x83: {  	_ =	shalt  }
0x84: {  	_ =	shalt  }
0x85: {  	_ =	shalt  }
0x86: {  	_ =	shalt  }
0x87: {  	_ =	shalt  }
.Lfunc_end0:
.L_simem_size_0:
called_computation_lowered:
.L_overlay_start_0:
0x88: {  	s2 =	sld [smem:$0x3FD9]  }
0x89: {  	s3 =	sld [smem:$0x3FFE];
	_ =	sdelay $0x1  }
0x8a: {  	s1 =	srdreg.scid  }
0x8b: {  	s0 =	sand.u32 $0x1, s1  }
0x8c: {  	s14 =	sshll.u32 s0, $0xA;
	s2 =	sadd.s32 s3, s2  }
0x8d: {  	s2 =	sadd.s32 s2, s14  }
0x8e: {  	[smem:$0x3FC6] =	sst s2  }
0x8f: {  	_ = 	snop  }
0x90: {  	s2 =	sld [smem:$0x3FD0];
	_ =	sdelay $0x2  }
0x91: {  	s15 =	simm.s32 $0xA;
	s4 =	simm.s32 $0x10  }
0x92: {  	[smem:s4], [sflag:s15] =	dma.local [hbm:s2], $0x1  }
0x93: {  	_ =	swait.eq [sflag:s15], $0x1  }
0x94: {  	[sflag:s15] =	ssyncset.done $0x0  }
0x95: {  	[sflag:s15] =	ssyncadd.s32 $0xFFFFFFFF  }
0x96: {  	s16 =	sld [smem:$0x11];
	(tm) =	ssettm $0x1  }
0x97: {  	s17 =	sld [smem:$0x3FFB];
	_ =	sdelay $0x3  }
0x98: {  	_ =	strace s17  }
0x99: {  	s3 =	sld [smem:$0x3FFC];
	_ =	sdelay $0x3  }
0x9a: {  	_ =	strace s3  }
0x9b: {  	s3 =	sld [smem:$0x3FFD];
	_ =	sdelay $0x3  }
0x9c: {  	_ =	strace s3  }
0x9d: {  	_ =	strace $0x8FFFFFFF  }
0x9e: {  	s18 =	sld [smem:$0x3FDB];
	_ =	sdelay $0x1  }
0x9f: {  	s19 =	simm.s32 $_scs_section_size  }
0xa0: {  	s5 =	simm.s32 $_size__tile_overlayer_lowered;
	s6 =	simm.s32 $_tile_overlayer_lowered  }
0xa1: {  	s22 =	simm.s32 $0x1BFF;
	s21 =	sshll.u32 s6, $0x1;
	s3 =	sadd.s32 s19, s18  }
0xa2: {  	s7 =	simm.s32 $0x0;
	s20 =	sshll.u32 s5, $0x1;
	s5 =	sadd.s32 s21, s3  }
0xa3: {  	[timem:s7], [sflag:s22] =	dma.local [hbm:s5], s20  }
0xa4: {  	_ =	swait.ge [sflag:s22], s20  }
0xa5: {  	s4 =	ssub.s32 $0x0, s20;
	[sflag:s22] =	ssyncset.done $0x0  }
0xa6: {  	[sflag:s22] =	ssyncadd.s32 s4;
	_ =	sdelay $0x1  }
0xa7: {  	s23 =	simm.s32 $0x1B8B  }
0xa8: {  	_ =	swait.ge [sflag:s23], $0x1  }
0xa9: {  	[sflag:s23] =	ssyncset.done $0x0  }
0xaa: {  	s25 =	simm.s32 $0x1B8E;
	s24 =	sld [smem:$0x3FFE];
	[sflag:s23] =	ssyncadd.s32 $0xFFFFFFFF  }
0xab: {  	s26 =	simm.s32 $execute0_lowered;
	[smem:$0x3FD2] =	sst s25  }
0xac: {  	s5 =	sshll.u32 s26, $0x1;
	_ =	strace $0x80000046;
	[dreg:$0x1] =	wrdreg $0xFFFFFFFF  }
0xad: {  	s28 =	simm.s32 $_size_execute0_lowered;
	s3 =	sadd.s32 s3, s5;
	[dreg:$0x0] =	wrdreg $0x0  }
0xae: {  	s5 =	sshll.u32 s28, $0x1;
	[dreg:$0x2] =	wrdreg s3  }
0xaf: {  	[dreg:$0x3] =	wrdreg s5  }
0xb0: {  	[dreg:$0x4] =	wrdreg $0xC0  }
0xb1: {  	_ =	task [dreg:s7], $0x5FFFF  }
0xb2: {  	[dreg:$0x1] =	wrdreg $0xFFFFFFFF  }
0xb3: {  	[dreg:$0x0] =	wrdreg $0x60  }
0xb4: {  	[dreg:$0x2] =	wrdreg s24  }
0xb5: {  	[dreg:$0x3] =	wrdreg s16  }
0xb6: {  	[dreg:$0x4] =	wrdreg $0x9  }
0xb7: {  	_ =	task.clear_ibuf [dreg:s7], $0x5FFFF;
	_ =	strace $0x90000046  }
0xb8: {  	s29 =	simm.s32 $0x9;
	_ =	strace $0x80000048  }
0xb9: {  	_ =	swait.ge [sflag:s29], $0x1  }
0xba: {  	[sflag:s29] =	ssyncadd.s32 $0xFFFFFFFF  }
0xbb: {  	_ =	strace $0x90000048  }
0xbc: {  	_ =	sfence  }
0xbd: {  	s30 =	sld [smem:$0x0];
	_ =	sdelay $0x2  }
0xbe: {  	s31 =	sshll.u32 s1, $0xD;
	s1 =	sshrl.u32 s1, $0x2  }
0xbf: {  	s3 =	sand.u32 $0x4000, s31;
	s1 =	sadd.s32 s1, s30  }
0xc0: {  	s0 =	sor.u32 s3, s0;
	s1 =	sshll.u32 s1, $0x11  }
0xc1: {  	s0 =	sor.u32 s1, s0  }
0xc2: {  	s0 =	sadd.s32 $0x8F2B, s0  }
0xc3: {  	[sflag:s0] =	ssyncadd.remote.s32 $0x1  }
0xc4: {  	_ =	sfence.sel $0xFFFF  }
0xc5: {  	[dreg:$0x0] =	wrdreg $0xFFFFFFFF;
	(pc) =	sbr.abs _section_cstart, $3  }
0xc6: {  	[dreg:$0x1] =	wrdreg $0xFFFFFFFF  }
0xc7: {  	_ =	task.clear_ibuf [dreg:s7], $0x2FFFF;
	_ =	strace $0x9FFFFFFF  }
0xc8: {  	(tm) =	ssettm $0x7FFFFFFF  }
0xc9: {  	_ =	shalt  }
tec
execute0_lowered:
.L_overlay_start_1:
0x0: {  	(tag) =	ssettag $0x1  }
0x1: {  	s3 =	rddreg [dreg:$0x0]  }
0x2: {  	s4 =	rddreg [dreg:$0x1]  }
0x3: {  	s0 =	rddreg [dreg:$0x2];
	s5 =	srdreg.scid  }
0x4: {  	s2 =	simm.s32 $0x0;
	s1 =	stileid.u32;
	s10 =	simm.s32 $0x4000  }
0x5: {  	s11 =	simm.s32 $0x4100;
	s12 =	simm.s32 $0x0;
	s5 =	sand.u32 $0x1, s5  }
0x6: {  	[smem:$0x7FF] =	sst s2;
	s6 =	sshll.u32 s1, $0x9;
	s7 =	sshll.u32 s5, $0x8  }
0x7: {  	_ =	strace $0x80000047;
	s5 =	ssub.s32 $0x2, s5;
	s6 =	sor.u32 s7, s6  }
0x8: {  	s8 =	sshrl.u32 s5, $0x1;
	s7 =	sadd.s32 s6, s3;
	s6 =	sshrl.u32 s6, $0x3  }
0x9: {  	s8 =	ssub.s32 s5, s8;
	s9 =	sadd.s32 s6, s3;
	s3 =	sadd.s32 $0xC00, s7  }
0xa: {  	s4 =	sadd.s32 s4, s6;
	s6 =	smax.u32 s8, $0x1;
	s7 =	simm.s32 $0x800  }
0xb: {  	s8 =	simm.s32 $0x10000;
	s5 =	sadd.s32 $0x10C00, s9;
	s9 =	simm.s32 $0x1  }
.LBB2_1:
0xc: {  	[tilespmem:s2], [sflag:$0x1] =	stream.strided.gather [hbm4b:s3+s7], $0x4000, s8, s7, $0x38;
	[tilespmem:$0x4200] =	vst v63  }
0xd: {  	_ =	swait.ge [sflag:s9], $0x4000  }
0xe: {  	s13 =	sand.u32 $0x3800, s2;
	s14 =	sand.u32 $0x380, s2;
	[sflag:s9] =	ssyncset.done $0x0  }
0xf: {  	s13 =	sor.u32 s14, s13;
	[sflag:s9] =	ssyncadd.s32 $0xFFFFC000  }
0x10: {  	v1 =	vld [tilespmem:s13+$0x0];
	_ =	sdelay $0x2  }
0x11: {  	s15 =	simm.s32 $0x80;
	s16 =	simm.s32 $0x100  }
0x12: {  	v2 =	vimm.f32 $-Inf;
	s17 =	simm.s32 $0x2;
	s31 =	sand.u32 $0x3800, s16;
	s18 =	sand.u32 $0x380, s15  }
0x13: {  	v0 =	vimm.s32 $0x0;
	s14 =	simm.s32 $0x0;
	s18 =	sor.u32 s18, s31;
	s13 =	simm.s32 $0x1;
	vm0 =	vgt.f32 v1, v2;
	v1 =	vmax.f32 v2, v1  }
.LBB2_2:
0x14: {  	p0 =	sne.s32 s17, $0x3F  }
0x15: {  	v2 =	vld [tilespmem:s18+$0x0];
	v0 =	vsel vm0, s14, v0;
	s14 =	smov.u32 s13;
	s13 =	smov.u32 s17;
	s17 =	sadd.s32 $0x1, s17  }
.Ltmp0:
0x16: {  	(pc) =	sbr.rel @p0 .LBB2_2-.Ltmp0, $4  }
0x17: {  	_ = 	snop  }
0x18: {  	s15 =	sadd.s32 $0x80, s15;
	s16 =	sadd.s32 $0x100, s16  }
0x19: {  	s18 =	sand.u32 $0x3800, s16;
	s19 =	sand.u32 $0x380, s15  }
0x1a: {  	s18 =	sor.u32 s19, s18;
	vm0 =	vgt.f32 v2, v1;
	v1 =	vmax.f32 v1, v2  }
0x1b: {  	s15 =	simm.s32 $0x0  }
0x1c: {  	s16 =	sand.u32 $0x3800, s15;
	s15 =	sand.u32 $0x380, s15  }
0x1d: {  	v3 =	vld [tilespmem:s18+$0x0];
	s15 =	sor.u32 s15, s16  }
0x1e: {  	v4 =	vld [tilespmem:s15+$0x0];
	_ =	sdelay $0x2  }
0x1f: {  	s17 =	simm.s32 $0x100;
	s28 =	simm.s32 $0x80  }
0x20: {  	s29 =	sand.u32 $0x3800, s17;
	s16 =	sand.u32 $0x380, s28;
	v2 =	vmax.f32 v1, v3  }
0x21: {  	s15 =	sor.u32 s16, s29;
	v4 =	vsub.f32 v4, v2  }
0x22: {  	v5 =	vld [tilespmem:s15+$0x0]  }
0x23: {  	vm15 =	vgt.f32 v3, v1;
	v3 =	vmul.f32 $1.442695020e+00, v4;
	_ =	sdelay $0x1  }
0x24: {  	v0 =	vsel vm0, s14, v0;
	s30 =	simm.s32 $0x200;
	s14 =	simm.s32 $0x100;
	(erf) = vpow2.f32 v3  }
0x25: {  	s31 =	sand.u32 $0x380, s14;
	s15 =	sand.u32 $0x3800, s30  }
0x26: {  	s15 =	sor.u32 s31, s15;
	v4 =	vsub.f32 v5, v2  }
0x27: {  	v3 =	vld [tilespmem:s15+$0x0]  }
0x28: {  	v1 =	vimm.f32 $0.0e+00;
	v0 =	vsel vm15, s13, v0;
	s13 =	simm.s32 $0x300;
	v4 =	vmul.f32 $1.442695020e+00, v4  }
.LBB2_4:
0x29: {  	p0 =	sne.s32 s13, $0x3F00  }
.Ltmp1:
0x2a: {  	s15 =	sand.u32 $0x3800, s13;
	s14 =	sadd.s32 $0x80, s14;
	(erf) = vpow2.f32 v4;
	(pc) =	sbr.rel @p0 .LBB2_4-.Ltmp1, $4  }
0x2b: {  	s13 =	sadd.s32 $0x100, s13;
	s16 =	sand.u32 $0x380, s14  }
0x2c: {  	s15 =	sor.u32 s16, s15;
	v4 =	vsub.f32 v3, v2  }
0x2d: {  	v3 =	vld [tilespmem:s15+$0x0];
	v5 =	vpop (erf)  }
0x2e: {  	v4 =	vmul.f32 $1.442695020e+00, v4;
	v1 =	vadd.f32 v5, v1  }
0x2f: {  	_ =	sdelay $0x2  }
0x30: {  	v2 =	vsub.f32 v3, v2;
	_ =	sdelay $0x1  }
0x31: {  	(erf) = vpow2.f32 v4;
	v2 =	vmul.f32 $1.442695020e+00, v2;
	_ =	sdelay $0x1  }
0x32: {  	(erf) = vpow2.f32 v2;
	_ =	sdelay $0x4  }
0x33: {  	v2 =	vpop (erf)  }
0x34: {  	v1 =	vadd.f32 v2, v1  }
0x35: {  	v2 =	vpop (erf)  }
0x36: {  	v1 =	vadd.f32 v2, v1  }
0x37: {  	v2 =	vpop (erf)  }
0x38: {  	v1 =	vadd.f32 v2, v1;
	_ =	sdelay $0x1  }
0x39: {  	(erf) = vrcp.f32 v1;
	_ =	sdelay $0x7  }
0x3a: {  	s13 =	simm.s32 $0x0  }
0x3b: {  	[tilespmem:$0x4100] =	vst v0;
	s14 =	sand.u32 $0x3800, s13;
	s15 =	sand.u32 $0x380, s13;
	v1 =	vpop (erf)  }
0x3c: {  	s15 =	sor.u32 s15, s14;
	[tilespmem:$0x4000] =	vst v1  }
0x3d: {  	v1 =	vld [tilespmem:s15+$0x10];
	_ =	sdelay $0x2  }
0x3e: {  	s16 =	simm.s32 $0x80;
	s17 =	simm.s32 $0x100  }
0x3f: {  	s19 =	sand.u32 $0x3800, s17;
	s20 =	sand.u32 $0x380, s16;
	v2 =	vimm.f32 $-Inf  }
0x40: {  	v0 =	vimm.s32 $0x0;
	s18 =	simm.s32 $0x2;
	s14 =	simm.s32 $0x1;
	s19 =	sor.u32 s20, s19;
	vm0 =	vgt.f32 v1, v2;
	v2 =	vmax.f32 v2, v1  }
.LBB2_6:
0x41: {  	p0 =	sne.s32 s18, $0x3F  }
0x42: {  	v1 =	vld [tilespmem:s19+$0x10];
	v0 =	vsel vm0, s13, v0;
	s13 =	smov.u32 s14;
	s14 =	smov.u32 s18;
	s18 =	sadd.s32 $0x1, s18  }
.Ltmp2:
0x43: {  	(pc) =	sbr.rel @p0 .LBB2_6-.Ltmp2, $4  }
0x44: {  	_ = 	snop  }
0x45: {  	s16 =	sadd.s32 $0x80, s16;
	s17 =	sadd.s32 $0x100, s17  }
0x46: {  	s19 =	sand.u32 $0x3800, s17;
	s20 =	sand.u32 $0x380, s16  }
0x47: {  	s19 =	sor.u32 s20, s19;
	vm0 =	vgt.f32 v1, v2;
	v2 =	vmax.f32 v2, v1  }
0x48: {  	v3 =	vld [tilespmem:s19+$0x10]  }
0x49: {  	v4 =	vld [tilespmem:s15+$0x10];
	_ =	sdelay $0x2  }
0x4a: {  	s16 =	simm.s32 $0x100;
	s17 =	simm.s32 $0x80  }
0x4b: {  	s28 =	sand.u32 $0x3800, s16;
	s29 =	sand.u32 $0x380, s17;
	v1 =	vmax.f32 v2, v3  }
0x4c: {  	s15 =	sor.u32 s29, s28;
	v4 =	vsub.f32 v4, v1  }
0x4d: {  	v5 =	vld [tilespmem:s15+$0x10]  }
0x4e: {  	vm15 =	vgt.f32 v3, v2;
	v3 =	vmul.f32 $1.442695020e+00, v4;
	_ =	sdelay $0x1  }
0x4f: {  	v0 =	vsel vm0, s13, v0;
	s30 =	simm.s32 $0x200;
	s13 =	simm.s32 $0x100;
	(erf) = vpow2.f32 v3  }
0x50: {  	s31 =	sand.u32 $0x380, s13;
	s15 =	sand.u32 $0x3800, s30  }
0x51: {  	s15 =	sor.u32 s31, s15;
	v4 =	vsub.f32 v5, v1  }
0x52: {  	v3 =	vld [tilespmem:s15+$0x10]  }
0x53: {  	v2 =	vimm.f32 $0.0e+00;
	v0 =	vsel vm15, s14, v0;
	s14 =	simm.s32 $0x300;
	v4 =	vmul.f32 $1.442695020e+00, v4  }
.LBB2_8:
0x54: {  	p0 =	sne.s32 s14, $0x3F00  }
.Ltmp3:
0x55: {  	s15 =	sand.u32 $0x3800, s14;
	s13 =	sadd.s32 $0x80, s13;
	(erf) = vpow2.f32 v4;
	(pc) =	sbr.rel @p0 .LBB2_8-.Ltmp3, $4  }
0x56: {  	s14 =	sadd.s32 $0x100, s14;
	s16 =	sand.u32 $0x380, s13  }
0x57: {  	s15 =	sor.u32 s16, s15;
	v4 =	vsub.f32 v3, v1  }
0x58: {  	v3 =	vld [tilespmem:s15+$0x10];
	v5 =	vpop (erf)  }
0x59: {  	v4 =	vmul.f32 $1.442695020e+00, v4;
	v2 =	vadd.f32 v5, v2  }
0x5a: {  	_ =	sdelay $0x2  }
0x5b: {  	v1 =	vsub.f32 v3, v1;
	_ =	sdelay $0x1  }
0x5c: {  	(erf) = vpow2.f32 v4;
	v1 =	vmul.f32 $1.442695020e+00, v1;
	_ =	sdelay $0x1  }
0x5d: {  	(erf) = vpow2.f32 v1;
	_ =	sdelay $0x4  }
0x5e: {  	v1 =	vpop (erf)  }
0x5f: {  	v1 =	vadd.f32 v1, v2  }
0x60: {  	v2 =	vpop (erf)  }
0x61: {  	v1 =	vadd.f32 v2, v1  }
0x62: {  	v2 =	vpop (erf)  }
0x63: {  	v1 =	vadd.f32 v2, v1;
	_ =	sdelay $0x1  }
0x64: {  	(erf) = vrcp.f32 v1;
	_ =	sdelay $0x7  }
0x65: {  	s13 =	simm.s32 $0x0  }
0x66: {  	[tilespmem:$0x4110] =	vst v0;
	s14 =	sand.u32 $0x3800, s13;
	s15 =	sand.u32 $0x380, s13;
	v1 =	vpop (erf)  }
0x67: {  	s15 =	sor.u32 s15, s14;
	[tilespmem:$0x4010] =	vst v1  }
0x68: {  	v1 =	vld [tilespmem:s15+$0x20];
	_ =	sdelay $0x2  }
0x69: {  	s16 =	simm.s32 $0x80;
	s17 =	simm.s32 $0x100  }
0x6a: {  	s19 =	sand.u32 $0x3800, s17;
	s20 =	sand.u32 $0x380, s16;
	v2 =	vimm.f32 $-Inf  }
0x6b: {  	v0 =	vimm.s32 $0x0;
	s18 =	simm.s32 $0x2;
	s14 =	simm.s32 $0x1;
	s19 =	sor.u32 s20, s19;
	vm0 =	vgt.f32 v1, v2;
	v2 =	vmax.f32 v2, v1  }
.LBB2_10:
0x6c: {  	p0 =	sne.s32 s18, $0x3F  }
0x6d: {  	v1 =	vld [tilespmem:s19+$0x20];
	v0 =	vsel vm0, s13, v0;
	s13 =	smov.u32 s14;
	s14 =	smov.u32 s18;
	s18 =	sadd.s32 $0x1, s18  }
.Ltmp4:
0x6e: {  	(pc) =	sbr.rel @p0 .LBB2_10-.Ltmp4, $4  }
0x6f: {  	_ = 	snop  }
0x70: {  	s16 =	sadd.s32 $0x80, s16;
	s17 =	sadd.s32 $0x100, s17  }
0x71: {  	s19 =	sand.u32 $0x3800, s17;
	s20 =	sand.u32 $0x380, s16  }
0x72: {  	s19 =	sor.u32 s20, s19;
	vm0 =	vgt.f32 v1, v2;
	v2 =	vmax.f32 v2, v1  }
0x73: {  	v3 =	vld [tilespmem:s19+$0x20]  }
0x74: {  	v4 =	vld [tilespmem:s15+$0x20];
	_ =	sdelay $0x2  }
0x75: {  	s16 =	simm.s32 $0x100;
	s17 =	simm.s32 $0x80  }
0x76: {  	s28 =	sand.u32 $0x3800, s16;
	s29 =	sand.u32 $0x380, s17;
	v1 =	vmax.f32 v2, v3  }
0x77: {  	s15 =	sor.u32 s29, s28;
	v4 =	vsub.f32 v4, v1  }
0x78: {  	v5 =	vld [tilespmem:s15+$0x20]  }
0x79: {  	vm15 =	vgt.f32 v3, v2;
	v3 =	vmul.f32 $1.442695020e+00, v4;
	_ =	sdelay $0x1  }
0x7a: {  	v0 =	vsel vm0, s13, v0;
	s30 =	simm.s32 $0x200;
	s13 =	simm.s32 $0x100;
	(erf) = vpow2.f32 v3  }
0x7b: {  	s31 =	sand.u32 $0x380, s13;
	s15 =	sand.u32 $0x3800, s30  }
0x7c: {  	s15 =	sor.u32 s31, s15;
	v4 =	vsub.f32 v5, v1  }
0x7d: {  	v3 =	vld [tilespmem:s15+$0x20]  }
0x7e: {  	v2 =	vimm.f32 $0.0e+00;
	v0 =	vsel vm15, s14, v0;
	s14 =	simm.s32 $0x300;
	v4 =	vmul.f32 $1.442695020e+00, v4  }
.LBB2_12:
0x7f: {  	p0 =	sne.s32 s14, $0x3F00  }
.Ltmp5:
0x80: {  	s15 =	sand.u32 $0x3800, s14;
	s13 =	sadd.s32 $0x80, s13;
	(erf) = vpow2.f32 v4;
	(pc) =	sbr.rel @p0 .LBB2_12-.Ltmp5, $4  }
0x81: {  	s14 =	sadd.s32 $0x100, s14;
	s16 =	sand.u32 $0x380, s13  }
0x82: {  	s15 =	sor.u32 s16, s15;
	v4 =	vsub.f32 v3, v1  }
0x83: {  	v3 =	vld [tilespmem:s15+$0x20];
	v5 =	vpop (erf)  }
0x84: {  	v4 =	vmul.f32 $1.442695020e+00, v4;
	v2 =	vadd.f32 v5, v2  }
0x85: {  	_ =	sdelay $0x2  }
0x86: {  	v1 =	vsub.f32 v3, v1;
	_ =	sdelay $0x1  }
0x87: {  	(erf) = vpow2.f32 v4;
	v1 =	vmul.f32 $1.442695020e+00, v1;
	_ =	sdelay $0x1  }
0x88: {  	(erf) = vpow2.f32 v1;
	_ =	sdelay $0x4  }
0x89: {  	v1 =	vpop (erf)  }
0x8a: {  	v1 =	vadd.f32 v1, v2  }
0x8b: {  	v2 =	vpop (erf)  }
0x8c: {  	v1 =	vadd.f32 v2, v1  }
0x8d: {  	v2 =	vpop (erf)  }
0x8e: {  	v1 =	vadd.f32 v2, v1;
	_ =	sdelay $0x1  }
0x8f: {  	(erf) = vrcp.f32 v1;
	_ =	sdelay $0x7  }
0x90: {  	s13 =	simm.s32 $0x0  }
0x91: {  	[tilespmem:$0x4120] =	vst v0;
	s14 =	sand.u32 $0x3800, s13;
	s15 =	sand.u32 $0x380, s13;
	v1 =	vpop (erf)  }
0x92: {  	s15 =	sor.u32 s15, s14;
	[tilespmem:$0x4020] =	vst v1  }
0x93: {  	v1 =	vld [tilespmem:s15+$0x30];
	_ =	sdelay $0x2  }
0x94: {  	s16 =	simm.s32 $0x80;
	s17 =	simm.s32 $0x100  }
0x95: {  	s19 =	sand.u32 $0x3800, s17;
	s20 =	sand.u32 $0x380, s16;
	v2 =	vimm.f32 $-Inf  }
0x96: {  	v0 =	vimm.s32 $0x0;
	s18 =	simm.s32 $0x2;
	s14 =	simm.s32 $0x1;
	s19 =	sor.u32 s20, s19;
	vm0 =	vgt.f32 v1, v2;
	v2 =	vmax.f32 v2, v1  }
.LBB2_14:
0x97: {  	p0 =	sne.s32 s18, $0x3F  }
0x98: {  	v1 =	vld [tilespmem:s19+$0x30];
	v0 =	vsel vm0, s13, v0;
	s13 =	smov.u32 s14;
	s14 =	smov.u32 s18;
	s18 =	sadd.s32 $0x1, s18  }
.Ltmp6:
0x99: {  	(pc) =	sbr.rel @p0 .LBB2_14-.Ltmp6, $4  }
0x9a: {  	_ = 	snop  }
0x9b: {  	s16 =	sadd.s32 $0x80, s16;
	s17 =	sadd.s32 $0x100, s17  }
0x9c: {  	s19 =	sand.u32 $0x3800, s17;
	s20 =	sand.u32 $0x380, s16  }
0x9d: {  	s19 =	sor.u32 s20, s19;
	vm0 =	vgt.f32 v1, v2;
	v2 =	vmax.f32 v2, v1  }
0x9e: {  	v3 =	vld [tilespmem:s19+$0x30]  }
0x9f: {  	v4 =	vld [tilespmem:s15+$0x30];
	_ =	sdelay $0x2  }
0xa0: {  	s16 =	simm.s32 $0x100;
	s17 =	simm.s32 $0x80  }
0xa1: {  	s28 =	sand.u32 $0x3800, s16;
	s29 =	sand.u32 $0x380, s17;
	v1 =	vmax.f32 v2, v3  }
0xa2: {  	s15 =	sor.u32 s29, s28;
	v4 =	vsub.f32 v4, v1  }
0xa3: {  	v5 =	vld [tilespmem:s15+$0x30]  }
0xa4: {  	vm15 =	vgt.f32 v3, v2;
	v3 =	vmul.f32 $1.442695020e+00, v4;
	_ =	sdelay $0x1  }
0xa5: {  	v0 =	vsel vm0, s13, v0;
	s30 =	simm.s32 $0x200;
	s13 =	simm.s32 $0x100;
	(erf) = vpow2.f32 v3  }
0xa6: {  	s31 =	sand.u32 $0x380, s13;
	s15 =	sand.u32 $0x3800, s30  }
0xa7: {  	s15 =	sor.u32 s31, s15;
	v4 =	vsub.f32 v5, v1  }
0xa8: {  	v3 =	vld [tilespmem:s15+$0x30]  }
0xa9: {  	v2 =	vimm.f32 $0.0e+00;
	v0 =	vsel vm15, s14, v0;
	s14 =	simm.s32 $0x300;
	v4 =	vmul.f32 $1.442695020e+00, v4  }
.LBB2_16:
0xaa: {  	p0 =	sne.s32 s14, $0x3F00  }
.Ltmp7:
0xab: {  	s15 =	sand.u32 $0x3800, s14;
	s13 =	sadd.s32 $0x80, s13;
	(erf) = vpow2.f32 v4;
	(pc) =	sbr.rel @p0 .LBB2_16-.Ltmp7, $4  }
0xac: {  	s14 =	sadd.s32 $0x100, s14;
	s16 =	sand.u32 $0x380, s13  }
0xad: {  	s15 =	sor.u32 s16, s15;
	v4 =	vsub.f32 v3, v1  }
0xae: {  	v3 =	vld [tilespmem:s15+$0x30];
	v5 =	vpop (erf)  }
0xaf: {  	v4 =	vmul.f32 $1.442695020e+00, v4;
	v2 =	vadd.f32 v5, v2  }
0xb0: {  	_ =	sdelay $0x2  }
0xb1: {  	v1 =	vsub.f32 v3, v1;
	_ =	sdelay $0x1  }
0xb2: {  	(erf) = vpow2.f32 v4;
	v1 =	vmul.f32 $1.442695020e+00, v1;
	_ =	sdelay $0x1  }
0xb3: {  	(erf) = vpow2.f32 v1;
	_ =	sdelay $0x4  }
0xb4: {  	v1 =	vpop (erf)  }
0xb5: {  	v1 =	vadd.f32 v1, v2  }
0xb6: {  	v2 =	vpop (erf)  }
0xb7: {  	v1 =	vadd.f32 v2, v1  }
0xb8: {  	v2 =	vpop (erf)  }
0xb9: {  	v1 =	vadd.f32 v2, v1;
	_ =	sdelay $0x1  }
0xba: {  	(erf) = vrcp.f32 v1;
	_ =	sdelay $0x7  }
0xbb: {  	s13 =	simm.s32 $0x0  }
0xbc: {  	[tilespmem:$0x4130] =	vst v0;
	s14 =	sand.u32 $0x3800, s13;
	s15 =	sand.u32 $0x380, s13;
	v1 =	vpop (erf)  }
0xbd: {  	s15 =	sor.u32 s15, s14;
	[tilespmem:$0x4030] =	vst v1  }
0xbe: {  	v1 =	vld [tilespmem:s15+$0x40];
	_ =	sdelay $0x2  }
0xbf: {  	s16 =	simm.s32 $0x80;
	s17 =	simm.s32 $0x100  }
0xc0: {  	s19 =	sand.u32 $0x3800, s17;
	s20 =	sand.u32 $0x380, s16;
	v2 =	vimm.f32 $-Inf  }
0xc1: {  	v0 =	vimm.s32 $0x0;
	s18 =	simm.s32 $0x2;
	s14 =	simm.s32 $0x1;
	s19 =	sor.u32 s20, s19;
	vm0 =	vgt.f32 v1, v2;
	v2 =	vmax.f32 v2, v1  }
.LBB2_18:
0xc2: {  	p0 =	sne.s32 s18, $0x3F  }
0xc3: {  	v1 =	vld [tilespmem:s19+$0x40];
	v0 =	vsel vm0, s13, v0;
	s13 =	smov.u32 s14;
	s14 =	smov.u32 s18;
	s18 =	sadd.s32 $0x1, s18  }
.Ltmp8:
0xc4: {  	(pc) =	sbr.rel @p0 .LBB2_18-.Ltmp8, $4  }
0xc5: {  	_ = 	snop  }
0xc6: {  	s16 =	sadd.s32 $0x80, s16;
	s17 =	sadd.s32 $0x100, s17  }
0xc7: {  	s19 =	sand.u32 $0x3800, s17;
	s20 =	sand.u32 $0x380, s16  }
0xc8: {  	s19 =	sor.u32 s20, s19;
	vm0 =	vgt.f32 v1, v2;
	v2 =	vmax.f32 v2, v1  }
0xc9: {  	v3 =	vld [tilespmem:s19+$0x40]  }
0xca: {  	v4 =	vld [tilespmem:s15+$0x40];
	_ =	sdelay $0x2  }
0xcb: {  	s16 =	simm.s32 $0x100;
	s17 =	simm.s32 $0x80  }
0xcc: {  	s28 =	sand.u32 $0x3800, s16;
	s29 =	sand.u32 $0x380, s17;
	v1 =	vmax.f32 v2, v3  }
0xcd: {  	s15 =	sor.u32 s29, s28;
	v4 =	vsub.f32 v4, v1  }
0xce: {  	v5 =	vld [tilespmem:s15+$0x40]  }
0xcf: {  	vm15 =	vgt.f32 v3, v2;
	v3 =	vmul.f32 $1.442695020e+00, v4;
	_ =	sdelay $0x1  }
0xd0: {  	v0 =	vsel vm0, s13, v0;
	s30 =	simm.s32 $0x200;
	s13 =	simm.s32 $0x100;
	(erf) = vpow2.f32 v3  }
0xd1: {  	s31 =	sand.u32 $0x380, s13;
	s15 =	sand.u32 $0x3800, s30  }
0xd2: {  	s15 =	sor.u32 s31, s15;
	v4 =	vsub.f32 v5, v1  }
0xd3: {  	v3 =	vld [tilespmem:s15+$0x40]  }
0xd4: {  	v2 =	vimm.f32 $0.0e+00;
	v0 =	vsel vm15, s14, v0;
	s14 =	simm.s32 $0x300;
	v4 =	vmul.f32 $1.442695020e+00, v4  }
.LBB2_20:
0xd5: {  	p0 =	sne.s32 s14, $0x3F00  }
.Ltmp9:
0xd6: {  	s15 =	sand.u32 $0x3800, s14;
	s13 =	sadd.s32 $0x80, s13;
	(erf) = vpow2.f32 v4;
	(pc) =	sbr.rel @p0 .LBB2_20-.Ltmp9, $4  }
0xd7: {  	s14 =	sadd.s32 $0x100, s14;
	s16 =	sand.u32 $0x380, s13  }
0xd8: {  	s15 =	sor.u32 s16, s15;
	v4 =	vsub.f32 v3, v1  }
0xd9: {  	v3 =	vld [tilespmem:s15+$0x40];
	v5 =	vpop (erf)  }
0xda: {  	v4 =	vmul.f32 $1.442695020e+00, v4;
	v2 =	vadd.f32 v5, v2  }
0xdb: {  	_ =	sdelay $0x2  }
0xdc: {  	v1 =	vsub.f32 v3, v1;
	_ =	sdelay $0x1  }
0xdd: {  	(erf) = vpow2.f32 v4;
	v1 =	vmul.f32 $1.442695020e+00, v1;
	_ =	sdelay $0x1  }
0xde: {  	(erf) = vpow2.f32 v1;
	_ =	sdelay $0x4  }
0xdf: {  	v1 =	vpop (erf)  }
0xe0: {  	v1 =	vadd.f32 v1, v2  }
0xe1: {  	v2 =	vpop (erf)  }
0xe2: {  	v1 =	vadd.f32 v2, v1  }
0xe3: {  	v2 =	vpop (erf)  }
0xe4: {  	v1 =	vadd.f32 v2, v1;
	_ =	sdelay $0x1  }
0xe5: {  	(erf) = vrcp.f32 v1;
	_ =	sdelay $0x7  }
0xe6: {  	s13 =	simm.s32 $0x0  }
0xe7: {  	[tilespmem:$0x4140] =	vst v0;
	s14 =	sand.u32 $0x3800, s13;
	s15 =	sand.u32 $0x380, s13;
	v1 =	vpop (erf)  }
0xe8: {  	s15 =	sor.u32 s15, s14;
	[tilespmem:$0x4040] =	vst v1  }
0xe9: {  	v1 =	vld [tilespmem:s15+$0x50];
	_ =	sdelay $0x2  }
0xea: {  	s16 =	simm.s32 $0x80;
	s17 =	simm.s32 $0x100  }
0xeb: {  	s19 =	sand.u32 $0x3800, s17;
	s20 =	sand.u32 $0x380, s16;
	v2 =	vimm.f32 $-Inf  }
0xec: {  	v0 =	vimm.s32 $0x0;
	s18 =	simm.s32 $0x2;
	s14 =	simm.s32 $0x1;
	s19 =	sor.u32 s20, s19;
	vm0 =	vgt.f32 v1, v2;
	v2 =	vmax.f32 v2, v1  }
.LBB2_22:
0xed: {  	p0 =	sne.s32 s18, $0x3F  }
0xee: {  	v1 =	vld [tilespmem:s19+$0x50];
	v0 =	vsel vm0, s13, v0;
	s13 =	smov.u32 s14;
	s14 =	smov.u32 s18;
	s18 =	sadd.s32 $0x1, s18  }
.Ltmp10:
0xef: {  	(pc) =	sbr.rel @p0 .LBB2_22-.Ltmp10, $4  }
0xf0: {  	_ = 	snop  }
0xf1: {  	s16 =	sadd.s32 $0x80, s16;
	s17 =	sadd.s32 $0x100, s17  }
0xf2: {  	s19 =	sand.u32 $0x3800, s17;
	s20 =	sand.u32 $0x380, s16  }
0xf3: {  	s19 =	sor.u32 s20, s19;
	vm0 =	vgt.f32 v1, v2;
	v2 =	vmax.f32 v2, v1  }
0xf4: {  	v3 =	vld [tilespmem:s19+$0x50]  }
0xf5: {  	v4 =	vld [tilespmem:s15+$0x50];
	_ =	sdelay $0x2  }
0xf6: {  	s16 =	simm.s32 $0x100;
	s17 =	simm.s32 $0x80  }
0xf7: {  	s28 =	sand.u32 $0x3800, s16;
	s29 =	sand.u32 $0x380, s17;
	v1 =	vmax.f32 v2, v3  }
0xf8: {  	s15 =	sor.u32 s29, s28;
	v4 =	vsub.f32 v4, v1  }
0xf9: {  	v5 =	vld [tilespmem:s15+$0x50]  }
0xfa: {  	vm15 =	vgt.f32 v3, v2;
	v3 =	vmul.f32 $1.442695020e+00, v4;
	_ =	sdelay $0x1  }
0xfb: {  	v0 =	vsel vm0, s13, v0;
	s30 =	simm.s32 $0x200;
	s13 =	simm.s32 $0x100;
	(erf) = vpow2.f32 v3  }
0xfc: {  	s31 =	sand.u32 $0x380, s13;
	s15 =	sand.u32 $0x3800, s30  }
0xfd: {  	s15 =	sor.u32 s31, s15;
	v4 =	vsub.f32 v5, v1  }
0xfe: {  	v3 =	vld [tilespmem:s15+$0x50]  }
0xff: {  	v2 =	vimm.f32 $0.0e+00;
	v0 =	vsel vm15, s14, v0;
	s14 =	simm.s32 $0x300;
	v4 =	vmul.f32 $1.442695020e+00, v4  }
.LBB2_24:
0x100: {  	p0 =	sne.s32 s14, $0x3F00  }
.Ltmp11:
0x101: {  	s15 =	sand.u32 $0x3800, s14;
	s13 =	sadd.s32 $0x80, s13;
	(erf) = vpow2.f32 v4;
	(pc) =	sbr.rel @p0 .LBB2_24-.Ltmp11, $4  }
0x102: {  	s14 =	sadd.s32 $0x100, s14;
	s16 =	sand.u32 $0x380, s13  }
0x103: {  	s15 =	sor.u32 s16, s15;
	v4 =	vsub.f32 v3, v1  }
0x104: {  	v3 =	vld [tilespmem:s15+$0x50];
	v5 =	vpop (erf)  }
0x105: {  	v4 =	vmul.f32 $1.442695020e+00, v4;
	v2 =	vadd.f32 v5, v2  }
0x106: {  	_ =	sdelay $0x2  }
0x107: {  	v1 =	vsub.f32 v3, v1;
	_ =	sdelay $0x1  }
0x108: {  	(erf) = vpow2.f32 v4;
	v1 =	vmul.f32 $1.442695020e+00, v1;
	_ =	sdelay $0x1  }
0x109: {  	(erf) = vpow2.f32 v1;
	_ =	sdelay $0x4  }
0x10a: {  	v1 =	vpop (erf)  }
0x10b: {  	v1 =	vadd.f32 v1, v2  }
0x10c: {  	v2 =	vpop (erf)  }
0x10d: {  	v1 =	vadd.f32 v2, v1  }
0x10e: {  	v2 =	vpop (erf)  }
0x10f: {  	v1 =	vadd.f32 v2, v1;
	_ =	sdelay $0x1  }
0x110: {  	(erf) = vrcp.f32 v1;
	_ =	sdelay $0x7  }
0x111: {  	s13 =	simm.s32 $0x0  }
0x112: {  	[tilespmem:$0x4150] =	vst v0;
	s14 =	sand.u32 $0x3800, s13;
	s15 =	sand.u32 $0x380, s13;
	v1 =	vpop (erf)  }
0x113: {  	s15 =	sor.u32 s15, s14;
	[tilespmem:$0x4050] =	vst v1  }
0x114: {  	v1 =	vld [tilespmem:s15+$0x60];
	_ =	sdelay $0x2  }
0x115: {  	s16 =	simm.s32 $0x80;
	s17 =	simm.s32 $0x100  }
0x116: {  	s19 =	sand.u32 $0x3800, s17;
	s20 =	sand.u32 $0x380, s16;
	v2 =	vimm.f32 $-Inf  }
0x117: {  	v0 =	vimm.s32 $0x0;
	s18 =	simm.s32 $0x2;
	s14 =	simm.s32 $0x1;
	s19 =	sor.u32 s20, s19;
	vm0 =	vgt.f32 v1, v2;
	v2 =	vmax.f32 v2, v1  }
.LBB2_26:
0x118: {  	p0 =	sne.s32 s18, $0x3F  }
0x119: {  	v1 =	vld [tilespmem:s19+$0x60];
	v0 =	vsel vm0, s13, v0;
	s13 =	smov.u32 s14;
	s14 =	smov.u32 s18;
	s18 =	sadd.s32 $0x1, s18  }
.Ltmp12:
0x11a: {  	(pc) =	sbr.rel @p0 .LBB2_26-.Ltmp12, $4  }
0x11b: {  	_ = 	snop  }
0x11c: {  	s16 =	sadd.s32 $0x80, s16;
	s17 =	sadd.s32 $0x100, s17  }
0x11d: {  	s19 =	sand.u32 $0x3800, s17;
	s20 =	sand.u32 $0x380, s16  }
0x11e: {  	s19 =	sor.u32 s20, s19;
	vm0 =	vgt.f32 v1, v2;
	v2 =	vmax.f32 v2, v1  }
0x11f: {  	v3 =	vld [tilespmem:s19+$0x60]  }
0x120: {  	v4 =	vld [tilespmem:s15+$0x60];
	_ =	sdelay $0x2  }
0x121: {  	s16 =	simm.s32 $0x100;
	s17 =	simm.s32 $0x80  }
0x122: {  	s28 =	sand.u32 $0x3800, s16;
	s29 =	sand.u32 $0x380, s17;
	v1 =	vmax.f32 v2, v3  }
0x123: {  	s15 =	sor.u32 s29, s28;
	v4 =	vsub.f32 v4, v1  }
0x124: {  	v5 =	vld [tilespmem:s15+$0x60]  }
0x125: {  	vm15 =	vgt.f32 v3, v2;
	v3 =	vmul.f32 $1.442695020e+00, v4;
	_ =	sdelay $0x1  }
0x126: {  	v0 =	vsel vm0, s13, v0;
	s30 =	simm.s32 $0x200;
	s13 =	simm.s32 $0x100;
	(erf) = vpow2.f32 v3  }
0x127: {  	s31 =	sand.u32 $0x380, s13;
	s15 =	sand.u32 $0x3800, s30  }
0x128: {  	s15 =	sor.u32 s31, s15;
	v4 =	vsub.f32 v5, v1  }
0x129: {  	v3 =	vld [tilespmem:s15+$0x60]  }
0x12a: {  	v2 =	vimm.f32 $0.0e+00;
	v0 =	vsel vm15, s14, v0;
	s14 =	simm.s32 $0x300;
	v4 =	vmul.f32 $1.442695020e+00, v4  }
.LBB2_28:
0x12b: {  	p0 =	sne.s32 s14, $0x3F00  }
.Ltmp13:
0x12c: {  	s15 =	sand.u32 $0x3800, s14;
	s13 =	sadd.s32 $0x80, s13;
	(erf) = vpow2.f32 v4;
	(pc) =	sbr.rel @p0 .LBB2_28-.Ltmp13, $4  }
0x12d: {  	s14 =	sadd.s32 $0x100, s14;
	s16 =	sand.u32 $0x380, s13  }
0x12e: {  	s15 =	sor.u32 s16, s15;
	v4 =	vsub.f32 v3, v1  }
0x12f: {  	v3 =	vld [tilespmem:s15+$0x60];
	v5 =	vpop (erf)  }
0x130: {  	v4 =	vmul.f32 $1.442695020e+00, v4;
	v2 =	vadd.f32 v5, v2  }
0x131: {  	_ =	sdelay $0x2  }
0x132: {  	v1 =	vsub.f32 v3, v1;
	_ =	sdelay $0x1  }
0x133: {  	(erf) = vpow2.f32 v4;
	v1 =	vmul.f32 $1.442695020e+00, v1;
	_ =	sdelay $0x1  }
0x134: {  	(erf) = vpow2.f32 v1;
	_ =	sdelay $0x4  }
0x135: {  	v1 =	vpop (erf)  }
0x136: {  	v1 =	vadd.f32 v1, v2  }
0x137: {  	v2 =	vpop (erf)  }
0x138: {  	v1 =	vadd.f32 v2, v1  }
0x139: {  	v2 =	vpop (erf)  }
0x13a: {  	v1 =	vadd.f32 v2, v1;
	_ =	sdelay $0x1  }
0x13b: {  	(erf) = vrcp.f32 v1;
	_ =	sdelay $0x7  }
0x13c: {  	s13 =	simm.s32 $0x0  }
0x13d: {  	[tilespmem:$0x4160] =	vst v0;
	s14 =	sand.u32 $0x3800, s13;
	s15 =	sand.u32 $0x380, s13;
	v1 =	vpop (erf)  }
0x13e: {  	s15 =	sor.u32 s15, s14;
	[tilespmem:$0x4060] =	vst v1  }
0x13f: {  	v1 =	vld [tilespmem:s15+$0x70];
	_ =	sdelay $0x2  }
0x140: {  	s16 =	simm.s32 $0x80;
	s17 =	simm.s32 $0x100  }
0x141: {  	s19 =	sand.u32 $0x3800, s17;
	s20 =	sand.u32 $0x380, s16;
	v2 =	vimm.f32 $-Inf  }
0x142: {  	v0 =	vimm.s32 $0x0;
	s18 =	simm.s32 $0x2;
	s14 =	simm.s32 $0x1;
	s19 =	sor.u32 s20, s19;
	vm0 =	vgt.f32 v1, v2;
	v2 =	vmax.f32 v2, v1  }
.LBB2_30:
0x143: {  	p0 =	sne.s32 s18, $0x3F  }
0x144: {  	v1 =	vld [tilespmem:s19+$0x70];
	v0 =	vsel vm0, s13, v0;
	s13 =	smov.u32 s14;
	s14 =	smov.u32 s18;
	s18 =	sadd.s32 $0x1, s18  }
.Ltmp14:
0x145: {  	(pc) =	sbr.rel @p0 .LBB2_30-.Ltmp14, $4  }
0x146: {  	_ = 	snop  }
0x147: {  	s16 =	sadd.s32 $0x80, s16;
	s17 =	sadd.s32 $0x100, s17  }
0x148: {  	s19 =	sand.u32 $0x3800, s17;
	s20 =	sand.u32 $0x380, s16  }
0x149: {  	s19 =	sor.u32 s20, s19;
	vm0 =	vgt.f32 v1, v2;
	v2 =	vmax.f32 v2, v1  }
0x14a: {  	v3 =	vld [tilespmem:s19+$0x70]  }
0x14b: {  	v4 =	vld [tilespmem:s15+$0x70];
	_ =	sdelay $0x2  }
0x14c: {  	s16 =	simm.s32 $0x100;
	s17 =	simm.s32 $0x80  }
0x14d: {  	s28 =	sand.u32 $0x3800, s16;
	s29 =	sand.u32 $0x380, s17;
	v1 =	vmax.f32 v2, v3  }
0x14e: {  	s15 =	sor.u32 s29, s28;
	v4 =	vsub.f32 v4, v1  }
0x14f: {  	v5 =	vld [tilespmem:s15+$0x70]  }
0x150: {  	vm15 =	vgt.f32 v3, v2;
	v3 =	vmul.f32 $1.442695020e+00, v4;
	_ =	sdelay $0x1  }
0x151: {  	v0 =	vsel vm0, s13, v0;
	s30 =	simm.s32 $0x200;
	s13 =	simm.s32 $0x100;
	(erf) = vpow2.f32 v3  }
0x152: {  	s31 =	sand.u32 $0x380, s13;
	s15 =	sand.u32 $0x3800, s30  }
0x153: {  	s15 =	sor.u32 s31, s15;
	v4 =	vsub.f32 v5, v1  }
0x154: {  	v3 =	vld [tilespmem:s15+$0x70]  }
0x155: {  	v2 =	vimm.f32 $0.0e+00;
	v0 =	vsel vm15, s14, v0;
	s14 =	simm.s32 $0x300;
	v4 =	vmul.f32 $1.442695020e+00, v4  }
.LBB2_32:
0x156: {  	p0 =	sne.s32 s14, $0x3F00  }
.Ltmp15:
0x157: {  	s15 =	sand.u32 $0x3800, s14;
	s13 =	sadd.s32 $0x80, s13;
	(erf) = vpow2.f32 v4;
	(pc) =	sbr.rel @p0 .LBB2_32-.Ltmp15, $4  }
0x158: {  	s14 =	sadd.s32 $0x100, s14;
	s16 =	sand.u32 $0x380, s13  }
0x159: {  	s15 =	sor.u32 s16, s15;
	v4 =	vsub.f32 v3, v1  }
0x15a: {  	v3 =	vld [tilespmem:s15+$0x70];
	v5 =	vpop (erf)  }
0x15b: {  	v4 =	vmul.f32 $1.442695020e+00, v4;
	v2 =	vadd.f32 v5, v2  }
0x15c: {  	_ =	sdelay $0x2  }
0x15d: {  	v1 =	vsub.f32 v3, v1;
	_ =	sdelay $0x1  }
0x15e: {  	(erf) = vpow2.f32 v4;
	v1 =	vmul.f32 $1.442695020e+00, v1;
	_ =	sdelay $0x1  }
0x15f: {  	(erf) = vpow2.f32 v1;
	_ =	sdelay $0x4  }
0x160: {  	v1 =	vpop (erf)  }
0x161: {  	v1 =	vadd.f32 v1, v2  }
0x162: {  	v2 =	vpop (erf)  }
0x163: {  	v1 =	vadd.f32 v2, v1  }
0x164: {  	v2 =	vpop (erf)  }
0x165: {  	v1 =	vadd.f32 v2, v1;
	_ =	sdelay $0x1  }
0x166: {  	(erf) = vrcp.f32 v1;
	_ =	sdelay $0x7  }
0x167: {  	s13 =	simm.s32 $0x0  }
0x168: {  	[tilespmem:$0x4170] =	vst v0;
	s14 =	sand.u32 $0x3800, s13;
	s15 =	sand.u32 $0x380, s13;
	v1 =	vpop (erf)  }
0x169: {  	s15 =	sor.u32 s15, s14;
	[tilespmem:$0x4070] =	vst v1  }
0x16a: {  	v1 =	vld [tilespmem:s15+$0x400];
	_ =	sdelay $0x2  }
0x16b: {  	s16 =	simm.s32 $0x80;
	s17 =	simm.s32 $0x100  }
0x16c: {  	s19 =	sand.u32 $0x3800, s17;
	s20 =	sand.u32 $0x380, s16;
	v2 =	vimm.f32 $-Inf  }
0x16d: {  	v0 =	vimm.s32 $0x0;
	s18 =	simm.s32 $0x2;
	s14 =	simm.s32 $0x1;
	s19 =	sor.u32 s20, s19;
	vm0 =	vgt.f32 v1, v2;
	v2 =	vmax.f32 v2, v1  }
.LBB2_34:
0x16e: {  	p0 =	sne.s32 s18, $0x3F  }
0x16f: {  	v1 =	vld [tilespmem:s19+$0x400];
	v0 =	vsel vm0, s13, v0;
	s13 =	smov.u32 s14;
	s14 =	smov.u32 s18;
	s18 =	sadd.s32 $0x1, s18  }
.Ltmp16:
0x170: {  	(pc) =	sbr.rel @p0 .LBB2_34-.Ltmp16, $4  }
0x171: {  	_ = 	snop  }
0x172: {  	s16 =	sadd.s32 $0x80, s16;
	s17 =	sadd.s32 $0x100, s17  }
0x173: {  	s19 =	sand.u32 $0x3800, s17;
	s20 =	sand.u32 $0x380, s16  }
0x174: {  	s19 =	sor.u32 s20, s19;
	vm0 =	vgt.f32 v1, v2;
	v2 =	vmax.f32 v2, v1  }
0x175: {  	v3 =	vld [tilespmem:s19+$0x400]  }
0x176: {  	v4 =	vld [tilespmem:s15+$0x400];
	_ =	sdelay $0x2  }
0x177: {  	s16 =	simm.s32 $0x100;
	s17 =	simm.s32 $0x80  }
0x178: {  	s28 =	sand.u32 $0x3800, s16;
	s29 =	sand.u32 $0x380, s17;
	v1 =	vmax.f32 v2, v3  }
0x179: {  	s15 =	sor.u32 s29, s28;
	v4 =	vsub.f32 v4, v1  }
0x17a: {  	v5 =	vld [tilespmem:s15+$0x400]  }
0x17b: {  	vm15 =	vgt.f32 v3, v2;
	v3 =	vmul.f32 $1.442695020e+00, v4;
	_ =	sdelay $0x1  }
0x17c: {  	v0 =	vsel vm0, s13, v0;
	s30 =	simm.s32 $0x200;
	s13 =	simm.s32 $0x100;
	(erf) = vpow2.f32 v3  }
0x17d: {  	s31 =	sand.u32 $0x380, s13;
	s15 =	sand.u32 $0x3800, s30  }
0x17e: {  	s15 =	sor.u32 s31, s15;
	v4 =	vsub.f32 v5, v1  }
0x17f: {  	v3 =	vld [tilespmem:s15+$0x400]  }
0x180: {  	v2 =	vimm.f32 $0.0e+00;
	v0 =	vsel vm15, s14, v0;
	s14 =	simm.s32 $0x300;
	v4 =	vmul.f32 $1.442695020e+00, v4  }
.LBB2_36:
0x181: {  	p0 =	sne.s32 s14, $0x3F00  }
.Ltmp17:
0x182: {  	s15 =	sand.u32 $0x3800, s14;
	s13 =	sadd.s32 $0x80, s13;
	(erf) = vpow2.f32 v4;
	(pc) =	sbr.rel @p0 .LBB2_36-.Ltmp17, $4  }
0x183: {  	s14 =	sadd.s32 $0x100, s14;
	s16 =	sand.u32 $0x380, s13  }
0x184: {  	s15 =	sor.u32 s16, s15;
	v4 =	vsub.f32 v3, v1  }
0x185: {  	v3 =	vld [tilespmem:s15+$0x400];
	v5 =	vpop (erf)  }
0x186: {  	v4 =	vmul.f32 $1.442695020e+00, v4;
	v2 =	vadd.f32 v5, v2  }
0x187: {  	_ =	sdelay $0x2  }
0x188: {  	v1 =	vsub.f32 v3, v1;
	_ =	sdelay $0x1  }
0x189: {  	(erf) = vpow2.f32 v4;
	v1 =	vmul.f32 $1.442695020e+00, v1;
	_ =	sdelay $0x1  }
0x18a: {  	(erf) = vpow2.f32 v1;
	_ =	sdelay $0x4  }
0x18b: {  	v1 =	vpop (erf)  }
0x18c: {  	v1 =	vadd.f32 v1, v2  }
0x18d: {  	v2 =	vpop (erf)  }
0x18e: {  	v1 =	vadd.f32 v2, v1  }
0x18f: {  	v2 =	vpop (erf)  }
0x190: {  	v1 =	vadd.f32 v2, v1;
	_ =	sdelay $0x1  }
0x191: {  	(erf) = vrcp.f32 v1;
	_ =	sdelay $0x7  }
0x192: {  	s13 =	simm.s32 $0x0  }
0x193: {  	[tilespmem:$0x4180] =	vst v0;
	s14 =	sand.u32 $0x3800, s13;
	s15 =	sand.u32 $0x380, s13;
	v1 =	vpop (erf)  }
0x194: {  	s15 =	sor.u32 s15, s14;
	[tilespmem:$0x4080] =	vst v1  }
0x195: {  	v1 =	vld [tilespmem:s15+$0x410];
	_ =	sdelay $0x2  }
0x196: {  	s16 =	simm.s32 $0x80;
	s17 =	simm.s32 $0x100  }
0x197: {  	s19 =	sand.u32 $0x3800, s17;
	s20 =	sand.u32 $0x380, s16;
	v2 =	vimm.f32 $-Inf  }
0x198: {  	v0 =	vimm.s32 $0x0;
	s18 =	simm.s32 $0x2;
	s14 =	simm.s32 $0x1;
	s19 =	sor.u32 s20, s19;
	vm0 =	vgt.f32 v1, v2;
	v2 =	vmax.f32 v2, v1  }
.LBB2_38:
0x199: {  	p0 =	sne.s32 s18, $0x3F  }
0x19a: {  	v1 =	vld [tilespmem:s19+$0x410];
	v0 =	vsel vm0, s13, v0;
	s13 =	smov.u32 s14;
	s14 =	smov.u32 s18;
	s18 =	sadd.s32 $0x1, s18  }
.Ltmp18:
0x19b: {  	(pc) =	sbr.rel @p0 .LBB2_38-.Ltmp18, $4  }
0x19c: {  	_ = 	snop  }
0x19d: {  	s16 =	sadd.s32 $0x80, s16;
	s17 =	sadd.s32 $0x100, s17  }
0x19e: {  	s19 =	sand.u32 $0x3800, s17;
	s20 =	sand.u32 $0x380, s16  }
0x19f: {  	s19 =	sor.u32 s20, s19;
	vm0 =	vgt.f32 v1, v2;
	v2 =	vmax.f32 v2, v1  }
0x1a0: {  	v3 =	vld [tilespmem:s19+$0x410]  }
0x1a1: {  	v4 =	vld [tilespmem:s15+$0x410];
	_ =	sdelay $0x2  }
0x1a2: {  	s16 =	simm.s32 $0x100;
	s17 =	simm.s32 $0x80  }
0x1a3: {  	s28 =	sand.u32 $0x3800, s16;
	s29 =	sand.u32 $0x380, s17;
	v1 =	vmax.f32 v2, v3  }
0x1a4: {  	s15 =	sor.u32 s29, s28;
	v4 =	vsub.f32 v4, v1  }
0x1a5: {  	v5 =	vld [tilespmem:s15+$0x410]  }
0x1a6: {  	vm15 =	vgt.f32 v3, v2;
	v3 =	vmul.f32 $1.442695020e+00, v4;
	_ =	sdelay $0x1  }
0x1a7: {  	v0 =	vsel vm0, s13, v0;
	s30 =	simm.s32 $0x200;
	s13 =	simm.s32 $0x100;
	(erf) = vpow2.f32 v3  }
0x1a8: {  	s31 =	sand.u32 $0x380, s13;
	s15 =	sand.u32 $0x3800, s30  }
0x1a9: {  	s15 =	sor.u32 s31, s15;
	v4 =	vsub.f32 v5, v1  }
0x1aa: {  	v3 =	vld [tilespmem:s15+$0x410]  }
0x1ab: {  	v2 =	vimm.f32 $0.0e+00;
	v0 =	vsel vm15, s14, v0;
	s14 =	simm.s32 $0x300;
	v4 =	vmul.f32 $1.442695020e+00, v4  }
.LBB2_40:
0x1ac: {  	p0 =	sne.s32 s14, $0x3F00  }
.Ltmp19:
0x1ad: {  	s15 =	sand.u32 $0x3800, s14;
	s13 =	sadd.s32 $0x80, s13;
	(erf) = vpow2.f32 v4;
	(pc) =	sbr.rel @p0 .LBB2_40-.Ltmp19, $4  }
0x1ae: {  	s14 =	sadd.s32 $0x100, s14;
	s16 =	sand.u32 $0x380, s13  }
0x1af: {  	s15 =	sor.u32 s16, s15;
	v4 =	vsub.f32 v3, v1  }
0x1b0: {  	v3 =	vld [tilespmem:s15+$0x410];
	v5 =	vpop (erf)  }
0x1b1: {  	v4 =	vmul.f32 $1.442695020e+00, v4;
	v2 =	vadd.f32 v5, v2  }
0x1b2: {  	_ =	sdelay $0x2  }
0x1b3: {  	v1 =	vsub.f32 v3, v1;
	_ =	sdelay $0x1  }
0x1b4: {  	(erf) = vpow2.f32 v4;
	v1 =	vmul.f32 $1.442695020e+00, v1;
	_ =	sdelay $0x1  }
0x1b5: {  	(erf) = vpow2.f32 v1;
	_ =	sdelay $0x4  }
0x1b6: {  	v1 =	vpop (erf)  }
0x1b7: {  	v1 =	vadd.f32 v1, v2  }
0x1b8: {  	v2 =	vpop (erf)  }
0x1b9: {  	v1 =	vadd.f32 v2, v1  }
0x1ba: {  	v2 =	vpop (erf)  }
0x1bb: {  	v1 =	vadd.f32 v2, v1;
	_ =	sdelay $0x1  }
0x1bc: {  	(erf) = vrcp.f32 v1;
	_ =	sdelay $0x7  }
0x1bd: {  	s13 =	simm.s32 $0x0  }
0x1be: {  	[tilespmem:$0x4190] =	vst v0;
	s14 =	sand.u32 $0x3800, s13;
	s15 =	sand.u32 $0x380, s13;
	v1 =	vpop (erf)  }
0x1bf: {  	s15 =	sor.u32 s15, s14;
	[tilespmem:$0x4090] =	vst v1  }
0x1c0: {  	v1 =	vld [tilespmem:s15+$0x420];
	_ =	sdelay $0x2  }
0x1c1: {  	s16 =	simm.s32 $0x80;
	s17 =	simm.s32 $0x100  }
0x1c2: {  	s19 =	sand.u32 $0x3800, s17;
	s20 =	sand.u32 $0x380, s16;
	v2 =	vimm.f32 $-Inf  }
0x1c3: {  	v0 =	vimm.s32 $0x0;
	s18 =	simm.s32 $0x2;
	s14 =	simm.s32 $0x1;
	s19 =	sor.u32 s20, s19;
	vm0 =	vgt.f32 v1, v2;
	v2 =	vmax.f32 v2, v1  }
.LBB2_42:
0x1c4: {  	p0 =	sne.s32 s18, $0x3F  }
0x1c5: {  	v1 =	vld [tilespmem:s19+$0x420];
	v0 =	vsel vm0, s13, v0;
	s13 =	smov.u32 s14;
	s14 =	smov.u32 s18;
	s18 =	sadd.s32 $0x1, s18  }
.Ltmp20:
0x1c6: {  	(pc) =	sbr.rel @p0 .LBB2_42-.Ltmp20, $4  }
0x1c7: {  	_ = 	snop  }
0x1c8: {  	s16 =	sadd.s32 $0x80, s16;
	s17 =	sadd.s32 $0x100, s17  }
0x1c9: {  	s19 =	sand.u32 $0x3800, s17;
	s20 =	sand.u32 $0x380, s16  }
0x1ca: {  	s19 =	sor.u32 s20, s19;
	vm0 =	vgt.f32 v1, v2;
	v2 =	vmax.f32 v2, v1  }
0x1cb: {  	v3 =	vld [tilespmem:s19+$0x420]  }
0x1cc: {  	v4 =	vld [tilespmem:s15+$0x420];
	_ =	sdelay $0x2  }
0x1cd: {  	s16 =	simm.s32 $0x100;
	s17 =	simm.s32 $0x80  }
0x1ce: {  	s28 =	sand.u32 $0x3800, s16;
	s29 =	sand.u32 $0x380, s17;
	v1 =	vmax.f32 v2, v3  }
0x1cf: {  	s15 =	sor.u32 s29, s28;
	v4 =	vsub.f32 v4, v1  }
0x1d0: {  	v5 =	vld [tilespmem:s15+$0x420]  }
0x1d1: {  	vm15 =	vgt.f32 v3, v2;
	v3 =	vmul.f32 $1.442695020e+00, v4;
	_ =	sdelay $0x1  }
0x1d2: {  	v0 =	vsel vm0, s13, v0;
	s30 =	simm.s32 $0x200;
	s13 =	simm.s32 $0x100;
	(erf) = vpow2.f32 v3  }
0x1d3: {  	s31 =	sand.u32 $0x380, s13;
	s15 =	sand.u32 $0x3800, s30  }
0x1d4: {  	s15 =	sor.u32 s31, s15;
	v4 =	vsub.f32 v5, v1  }
0x1d5: {  	v3 =	vld [tilespmem:s15+$0x420]  }
0x1d6: {  	v2 =	vimm.f32 $0.0e+00;
	v0 =	vsel vm15, s14, v0;
	s14 =	simm.s32 $0x300;
	v4 =	vmul.f32 $1.442695020e+00, v4  }
.LBB2_44:
0x1d7: {  	p0 =	sne.s32 s14, $0x3F00  }
.Ltmp21:
0x1d8: {  	s15 =	sand.u32 $0x3800, s14;
	s13 =	sadd.s32 $0x80, s13;
	(erf) = vpow2.f32 v4;
	(pc) =	sbr.rel @p0 .LBB2_44-.Ltmp21, $4  }
0x1d9: {  	s14 =	sadd.s32 $0x100, s14;
	s16 =	sand.u32 $0x380, s13  }
0x1da: {  	s15 =	sor.u32 s16, s15;
	v4 =	vsub.f32 v3, v1  }
0x1db: {  	v3 =	vld [tilespmem:s15+$0x420];
	v5 =	vpop (erf)  }
0x1dc: {  	v4 =	vmul.f32 $1.442695020e+00, v4;
	v2 =	vadd.f32 v5, v2  }
0x1dd: {  	_ =	sdelay $0x2  }
0x1de: {  	v1 =	vsub.f32 v3, v1;
	_ =	sdelay $0x1  }
0x1df: {  	(erf) = vpow2.f32 v4;
	v1 =	vmul.f32 $1.442695020e+00, v1;
	_ =	sdelay $0x1  }
0x1e0: {  	(erf) = vpow2.f32 v1;
	_ =	sdelay $0x4  }
0x1e1: {  	v1 =	vpop (erf)  }
0x1e2: {  	v1 =	vadd.f32 v1, v2  }
0x1e3: {  	v2 =	vpop (erf)  }
0x1e4: {  	v1 =	vadd.f32 v2, v1  }
0x1e5: {  	v2 =	vpop (erf)  }
0x1e6: {  	v1 =	vadd.f32 v2, v1;
	_ =	sdelay $0x1  }
0x1e7: {  	(erf) = vrcp.f32 v1;
	_ =	sdelay $0x7  }
0x1e8: {  	s13 =	simm.s32 $0x0  }
0x1e9: {  	[tilespmem:$0x41A0] =	vst v0;
	s14 =	sand.u32 $0x3800, s13;
	s15 =	sand.u32 $0x380, s13;
	v1 =	vpop (erf)  }
0x1ea: {  	s15 =	sor.u32 s15, s14;
	[tilespmem:$0x40A0] =	vst v1  }
0x1eb: {  	v1 =	vld [tilespmem:s15+$0x430];
	_ =	sdelay $0x2  }
0x1ec: {  	s16 =	simm.s32 $0x80;
	s17 =	simm.s32 $0x100  }
0x1ed: {  	s19 =	sand.u32 $0x3800, s17;
	s20 =	sand.u32 $0x380, s16;
	v2 =	vimm.f32 $-Inf  }
0x1ee: {  	v0 =	vimm.s32 $0x0;
	s18 =	simm.s32 $0x2;
	s14 =	simm.s32 $0x1;
	s19 =	sor.u32 s20, s19;
	vm0 =	vgt.f32 v1, v2;
	v2 =	vmax.f32 v2, v1  }
.LBB2_46:
0x1ef: {  	p0 =	sne.s32 s18, $0x3F  }
0x1f0: {  	v1 =	vld [tilespmem:s19+$0x430];
	v0 =	vsel vm0, s13, v0;
	s13 =	smov.u32 s14;
	s14 =	smov.u32 s18;
	s18 =	sadd.s32 $0x1, s18  }
.Ltmp22:
0x1f1: {  	(pc) =	sbr.rel @p0 .LBB2_46-.Ltmp22, $4  }
0x1f2: {  	_ = 	snop  }
0x1f3: {  	s16 =	sadd.s32 $0x80, s16;
	s17 =	sadd.s32 $0x100, s17  }
0x1f4: {  	s19 =	sand.u32 $0x3800, s17;
	s20 =	sand.u32 $0x380, s16  }
0x1f5: {  	s19 =	sor.u32 s20, s19;
	vm0 =	vgt.f32 v1, v2;
	v2 =	vmax.f32 v2, v1  }
0x1f6: {  	v3 =	vld [tilespmem:s19+$0x430]  }
0x1f7: {  	v4 =	vld [tilespmem:s15+$0x430];
	_ =	sdelay $0x2  }
0x1f8: {  	s16 =	simm.s32 $0x100;
	s17 =	simm.s32 $0x80  }
0x1f9: {  	s28 =	sand.u32 $0x3800, s16;
	s29 =	sand.u32 $0x380, s17;
	v1 =	vmax.f32 v2, v3  }
0x1fa: {  	s15 =	sor.u32 s29, s28;
	v4 =	vsub.f32 v4, v1  }
0x1fb: {  	v5 =	vld [tilespmem:s15+$0x430]  }
0x1fc: {  	vm15 =	vgt.f32 v3, v2;
	v3 =	vmul.f32 $1.442695020e+00, v4;
	_ =	sdelay $0x1  }
0x1fd: {  	v0 =	vsel vm0, s13, v0;
	s30 =	simm.s32 $0x200;
	s13 =	simm.s32 $0x100;
	(erf) = vpow2.f32 v3  }
0x1fe: {  	s31 =	sand.u32 $0x380, s13;
	s15 =	sand.u32 $0x3800, s30  }
0x1ff: {  	s15 =	sor.u32 s31, s15;
	v4 =	vsub.f32 v5, v1  }
0x200: {  	v3 =	vld [tilespmem:s15+$0x430]  }
0x201: {  	v2 =	vimm.f32 $0.0e+00;
	v0 =	vsel vm15, s14, v0;
	s14 =	simm.s32 $0x300;
	v4 =	vmul.f32 $1.442695020e+00, v4  }
.LBB2_48:
0x202: {  	p0 =	sne.s32 s14, $0x3F00  }
.Ltmp23:
0x203: {  	s15 =	sand.u32 $0x3800, s14;
	s13 =	sadd.s32 $0x80, s13;
	(erf) = vpow2.f32 v4;
	(pc) =	sbr.rel @p0 .LBB2_48-.Ltmp23, $4  }
0x204: {  	s14 =	sadd.s32 $0x100, s14;
	s16 =	sand.u32 $0x380, s13  }
0x205: {  	s15 =	sor.u32 s16, s15;
	v4 =	vsub.f32 v3, v1  }
0x206: {  	v3 =	vld [tilespmem:s15+$0x430];
	v5 =	vpop (erf)  }
0x207: {  	v4 =	vmul.f32 $1.442695020e+00, v4;
	v2 =	vadd.f32 v5, v2  }
0x208: {  	_ =	sdelay $0x2  }
0x209: {  	v1 =	vsub.f32 v3, v1;
	_ =	sdelay $0x1  }
0x20a: {  	(erf) = vpow2.f32 v4;
	v1 =	vmul.f32 $1.442695020e+00, v1;
	_ =	sdelay $0x1  }
0x20b: {  	(erf) = vpow2.f32 v1;
	_ =	sdelay $0x4  }
0x20c: {  	v1 =	vpop (erf)  }
0x20d: {  	v1 =	vadd.f32 v1, v2  }
0x20e: {  	v2 =	vpop (erf)  }
0x20f: {  	v1 =	vadd.f32 v2, v1  }
0x210: {  	v2 =	vpop (erf)  }
0x211: {  	v1 =	vadd.f32 v2, v1;
	_ =	sdelay $0x1  }
0x212: {  	(erf) = vrcp.f32 v1;
	_ =	sdelay $0x7  }
0x213: {  	s13 =	simm.s32 $0x0  }
0x214: {  	[tilespmem:$0x41B0] =	vst v0;
	s14 =	sand.u32 $0x3800, s13;
	s15 =	sand.u32 $0x380, s13;
	v1 =	vpop (erf)  }
0x215: {  	s15 =	sor.u32 s15, s14;
	[tilespmem:$0x40B0] =	vst v1  }
0x216: {  	v1 =	vld [tilespmem:s15+$0x440];
	_ =	sdelay $0x2  }
0x217: {  	s16 =	simm.s32 $0x80;
	s17 =	simm.s32 $0x100  }
0x218: {  	s19 =	sand.u32 $0x3800, s17;
	s20 =	sand.u32 $0x380, s16;
	v2 =	vimm.f32 $-Inf  }
0x219: {  	v0 =	vimm.s32 $0x0;
	s18 =	simm.s32 $0x2;
	s14 =	simm.s32 $0x1;
	s19 =	sor.u32 s20, s19;
	vm0 =	vgt.f32 v1, v2;
	v2 =	vmax.f32 v2, v1  }
.LBB2_50:
0x21a: {  	p0 =	sne.s32 s18, $0x3F  }
0x21b: {  	v1 =	vld [tilespmem:s19+$0x440];
	v0 =	vsel vm0, s13, v0;
	s13 =	smov.u32 s14;
	s14 =	smov.u32 s18;
	s18 =	sadd.s32 $0x1, s18  }
.Ltmp24:
0x21c: {  	(pc) =	sbr.rel @p0 .LBB2_50-.Ltmp24, $4  }
0x21d: {  	_ = 	snop  }
0x21e: {  	s16 =	sadd.s32 $0x80, s16;
	s17 =	sadd.s32 $0x100, s17  }
0x21f: {  	s19 =	sand.u32 $0x3800, s17;
	s20 =	sand.u32 $0x380, s16  }
0x220: {  	s19 =	sor.u32 s20, s19;
	vm0 =	vgt.f32 v1, v2;
	v2 =	vmax.f32 v2, v1  }
0x221: {  	v3 =	vld [tilespmem:s19+$0x440]  }
0x222: {  	v4 =	vld [tilespmem:s15+$0x440];
	_ =	sdelay $0x2  }
0x223: {  	s16 =	simm.s32 $0x100;
	s17 =	simm.s32 $0x80  }
0x224: {  	s28 =	sand.u32 $0x3800, s16;
	s29 =	sand.u32 $0x380, s17;
	v1 =	vmax.f32 v2, v3  }
0x225: {  	s15 =	sor.u32 s29, s28;
	v4 =	vsub.f32 v4, v1  }
0x226: {  	v5 =	vld [tilespmem:s15+$0x440]  }
0x227: {  	vm15 =	vgt.f32 v3, v2;
	v3 =	vmul.f32 $1.442695020e+00, v4;
	_ =	sdelay $0x1  }
0x228: {  	v0 =	vsel vm0, s13, v0;
	s30 =	simm.s32 $0x200;
	s13 =	simm.s32 $0x100;
	(erf) = vpow2.f32 v3  }
0x229: {  	s31 =	sand.u32 $0x380, s13;
	s15 =	sand.u32 $0x3800, s30  }
0x22a: {  	s15 =	sor.u32 s31, s15;
	v4 =	vsub.f32 v5, v1  }
0x22b: {  	v3 =	vld [tilespmem:s15+$0x440]  }
0x22c: {  	v2 =	vimm.f32 $0.0e+00;
	v0 =	vsel vm15, s14, v0;
	s14 =	simm.s32 $0x300;
	v4 =	vmul.f32 $1.442695020e+00, v4  }
.LBB2_52:
0x22d: {  	p0 =	sne.s32 s14, $0x3F00  }
.Ltmp25:
0x22e: {  	s15 =	sand.u32 $0x3800, s14;
	s13 =	sadd.s32 $0x80, s13;
	(erf) = vpow2.f32 v4;
	(pc) =	sbr.rel @p0 .LBB2_52-.Ltmp25, $4  }
0x22f: {  	s14 =	sadd.s32 $0x100, s14;
	s16 =	sand.u32 $0x380, s13  }
0x230: {  	s15 =	sor.u32 s16, s15;
	v4 =	vsub.f32 v3, v1  }
0x231: {  	v3 =	vld [tilespmem:s15+$0x440];
	v5 =	vpop (erf)  }
0x232: {  	v4 =	vmul.f32 $1.442695020e+00, v4;
	v2 =	vadd.f32 v5, v2  }
0x233: {  	_ =	sdelay $0x2  }
0x234: {  	v1 =	vsub.f32 v3, v1;
	_ =	sdelay $0x1  }
0x235: {  	(erf) = vpow2.f32 v4;
	v1 =	vmul.f32 $1.442695020e+00, v1;
	_ =	sdelay $0x1  }
0x236: {  	(erf) = vpow2.f32 v1;
	_ =	sdelay $0x4  }
0x237: {  	v1 =	vpop (erf)  }
0x238: {  	v1 =	vadd.f32 v1, v2  }
0x239: {  	v2 =	vpop (erf)  }
0x23a: {  	v1 =	vadd.f32 v2, v1  }
0x23b: {  	v2 =	vpop (erf)  }
0x23c: {  	v1 =	vadd.f32 v2, v1;
	_ =	sdelay $0x1  }
0x23d: {  	(erf) = vrcp.f32 v1;
	_ =	sdelay $0x7  }
0x23e: {  	s13 =	simm.s32 $0x0  }
0x23f: {  	[tilespmem:$0x41C0] =	vst v0;
	s14 =	sand.u32 $0x3800, s13;
	s15 =	sand.u32 $0x380, s13;
	v1 =	vpop (erf)  }
0x240: {  	s15 =	sor.u32 s15, s14;
	[tilespmem:$0x40C0] =	vst v1  }
0x241: {  	v1 =	vld [tilespmem:s15+$0x450];
	_ =	sdelay $0x2  }
0x242: {  	s16 =	simm.s32 $0x80;
	s17 =	simm.s32 $0x100  }
0x243: {  	s19 =	sand.u32 $0x3800, s17;
	s20 =	sand.u32 $0x380, s16;
	v2 =	vimm.f32 $-Inf  }
0x244: {  	v0 =	vimm.s32 $0x0;
	s18 =	simm.s32 $0x2;
	s14 =	simm.s32 $0x1;
	s19 =	sor.u32 s20, s19;
	vm0 =	vgt.f32 v1, v2;
	v2 =	vmax.f32 v2, v1  }
.LBB2_54:
0x245: {  	p0 =	sne.s32 s18, $0x3F  }
0x246: {  	v1 =	vld [tilespmem:s19+$0x450];
	v0 =	vsel vm0, s13, v0;
	s13 =	smov.u32 s14;
	s14 =	smov.u32 s18;
	s18 =	sadd.s32 $0x1, s18  }
.Ltmp26:
0x247: {  	(pc) =	sbr.rel @p0 .LBB2_54-.Ltmp26, $4  }
0x248: {  	_ = 	snop  }
0x249: {  	s16 =	sadd.s32 $0x80, s16;
	s17 =	sadd.s32 $0x100, s17  }
0x24a: {  	s19 =	sand.u32 $0x3800, s17;
	s20 =	sand.u32 $0x380, s16  }
0x24b: {  	s19 =	sor.u32 s20, s19;
	vm0 =	vgt.f32 v1, v2;
	v2 =	vmax.f32 v2, v1  }
0x24c: {  	v3 =	vld [tilespmem:s19+$0x450]  }
0x24d: {  	v4 =	vld [tilespmem:s15+$0x450];
	_ =	sdelay $0x2  }
0x24e: {  	s16 =	simm.s32 $0x100;
	s17 =	simm.s32 $0x80  }
0x24f: {  	s28 =	sand.u32 $0x3800, s16;
	s29 =	sand.u32 $0x380, s17;
	v1 =	vmax.f32 v2, v3  }
0x250: {  	s15 =	sor.u32 s29, s28;
	v4 =	vsub.f32 v4, v1  }
0x251: {  	v5 =	vld [tilespmem:s15+$0x450]  }
0x252: {  	vm15 =	vgt.f32 v3, v2;
	v3 =	vmul.f32 $1.442695020e+00, v4;
	_ =	sdelay $0x1  }
0x253: {  	v0 =	vsel vm0, s13, v0;
	s30 =	simm.s32 $0x200;
	s13 =	simm.s32 $0x100;
	(erf) = vpow2.f32 v3  }
0x254: {  	s31 =	sand.u32 $0x380, s13;
	s15 =	sand.u32 $0x3800, s30  }
0x255: {  	s15 =	sor.u32 s31, s15;
	v4 =	vsub.f32 v5, v1  }
0x256: {  	v3 =	vld [tilespmem:s15+$0x450]  }
0x257: {  	v2 =	vimm.f32 $0.0e+00;
	v0 =	vsel vm15, s14, v0;
	s14 =	simm.s32 $0x300;
	v4 =	vmul.f32 $1.442695020e+00, v4  }
.LBB2_56:
0x258: {  	p0 =	sne.s32 s14, $0x3F00  }
.Ltmp27:
0x259: {  	s15 =	sand.u32 $0x3800, s14;
	s13 =	sadd.s32 $0x80, s13;
	(erf) = vpow2.f32 v4;
	(pc) =	sbr.rel @p0 .LBB2_56-.Ltmp27, $4  }
0x25a: {  	s14 =	sadd.s32 $0x100, s14;
	s16 =	sand.u32 $0x380, s13  }
0x25b: {  	s15 =	sor.u32 s16, s15;
	v4 =	vsub.f32 v3, v1  }
0x25c: {  	v3 =	vld [tilespmem:s15+$0x450];
	v5 =	vpop (erf)  }
0x25d: {  	v4 =	vmul.f32 $1.442695020e+00, v4;
	v2 =	vadd.f32 v5, v2  }
0x25e: {  	_ =	sdelay $0x2  }
0x25f: {  	v1 =	vsub.f32 v3, v1;
	_ =	sdelay $0x1  }
0x260: {  	(erf) = vpow2.f32 v4;
	v1 =	vmul.f32 $1.442695020e+00, v1;
	_ =	sdelay $0x1  }
0x261: {  	(erf) = vpow2.f32 v1;
	_ =	sdelay $0x4  }
0x262: {  	v1 =	vpop (erf)  }
0x263: {  	v1 =	vadd.f32 v1, v2  }
0x264: {  	v2 =	vpop (erf)  }
0x265: {  	v1 =	vadd.f32 v2, v1  }
0x266: {  	v2 =	vpop (erf)  }
0x267: {  	v1 =	vadd.f32 v2, v1;
	_ =	sdelay $0x1  }
0x268: {  	(erf) = vrcp.f32 v1;
	_ =	sdelay $0x7  }
0x269: {  	s13 =	simm.s32 $0x0  }
0x26a: {  	[tilespmem:$0x41D0] =	vst v0;
	s14 =	sand.u32 $0x3800, s13;
	s15 =	sand.u32 $0x380, s13;
	v1 =	vpop (erf)  }
0x26b: {  	s15 =	sor.u32 s15, s14;
	[tilespmem:$0x40D0] =	vst v1  }
0x26c: {  	v1 =	vld [tilespmem:s15+$0x460];
	_ =	sdelay $0x2  }
0x26d: {  	s16 =	simm.s32 $0x80;
	s17 =	simm.s32 $0x100  }
0x26e: {  	s19 =	sand.u32 $0x3800, s17;
	s20 =	sand.u32 $0x380, s16;
	v2 =	vimm.f32 $-Inf  }
0x26f: {  	v0 =	vimm.s32 $0x0;
	s18 =	simm.s32 $0x2;
	s14 =	simm.s32 $0x1;
	s19 =	sor.u32 s20, s19;
	vm0 =	vgt.f32 v1, v2;
	v2 =	vmax.f32 v2, v1  }
.LBB2_58:
0x270: {  	p0 =	sne.s32 s18, $0x3F  }
0x271: {  	v1 =	vld [tilespmem:s19+$0x460];
	v0 =	vsel vm0, s13, v0;
	s13 =	smov.u32 s14;
	s14 =	smov.u32 s18;
	s18 =	sadd.s32 $0x1, s18  }
.Ltmp28:
0x272: {  	(pc) =	sbr.rel @p0 .LBB2_58-.Ltmp28, $4  }
0x273: {  	_ = 	snop  }
0x274: {  	s16 =	sadd.s32 $0x80, s16;
	s17 =	sadd.s32 $0x100, s17  }
0x275: {  	s19 =	sand.u32 $0x3800, s17;
	s20 =	sand.u32 $0x380, s16  }
0x276: {  	s19 =	sor.u32 s20, s19;
	vm0 =	vgt.f32 v1, v2;
	v2 =	vmax.f32 v2, v1  }
0x277: {  	v3 =	vld [tilespmem:s19+$0x460]  }
0x278: {  	v4 =	vld [tilespmem:s15+$0x460];
	_ =	sdelay $0x2  }
0x279: {  	s16 =	simm.s32 $0x100;
	s17 =	simm.s32 $0x80  }
0x27a: {  	s28 =	sand.u32 $0x3800, s16;
	s29 =	sand.u32 $0x380, s17;
	v1 =	vmax.f32 v2, v3  }
0x27b: {  	s15 =	sor.u32 s29, s28;
	v4 =	vsub.f32 v4, v1  }
0x27c: {  	v5 =	vld [tilespmem:s15+$0x460]  }
0x27d: {  	vm15 =	vgt.f32 v3, v2;
	v3 =	vmul.f32 $1.442695020e+00, v4;
	_ =	sdelay $0x1  }
0x27e: {  	v0 =	vsel vm0, s13, v0;
	s30 =	simm.s32 $0x200;
	s13 =	simm.s32 $0x100;
	(erf) = vpow2.f32 v3  }
0x27f: {  	s31 =	sand.u32 $0x380, s13;
	s15 =	sand.u32 $0x3800, s30  }
0x280: {  	s15 =	sor.u32 s31, s15;
	v4 =	vsub.f32 v5, v1  }
0x281: {  	v3 =	vld [tilespmem:s15+$0x460]  }
0x282: {  	v2 =	vimm.f32 $0.0e+00;
	v0 =	vsel vm15, s14, v0;
	s14 =	simm.s32 $0x300;
	v4 =	vmul.f32 $1.442695020e+00, v4  }
.LBB2_60:
0x283: {  	p0 =	sne.s32 s14, $0x3F00  }
.Ltmp29:
0x284: {  	s15 =	sand.u32 $0x3800, s14;
	s13 =	sadd.s32 $0x80, s13;
	(erf) = vpow2.f32 v4;
	(pc) =	sbr.rel @p0 .LBB2_60-.Ltmp29, $4  }
0x285: {  	s14 =	sadd.s32 $0x100, s14;
	s16 =	sand.u32 $0x380, s13  }
0x286: {  	s15 =	sor.u32 s16, s15;
	v4 =	vsub.f32 v3, v1  }
0x287: {  	v3 =	vld [tilespmem:s15+$0x460];
	v5 =	vpop (erf)  }
0x288: {  	v4 =	vmul.f32 $1.442695020e+00, v4;
	v2 =	vadd.f32 v5, v2  }
0x289: {  	_ =	sdelay $0x2  }
0x28a: {  	v1 =	vsub.f32 v3, v1;
	_ =	sdelay $0x1  }
0x28b: {  	(erf) = vpow2.f32 v4;
	v1 =	vmul.f32 $1.442695020e+00, v1;
	_ =	sdelay $0x1  }
0x28c: {  	(erf) = vpow2.f32 v1;
	_ =	sdelay $0x4  }
0x28d: {  	v1 =	vpop (erf)  }
0x28e: {  	v1 =	vadd.f32 v1, v2  }
0x28f: {  	v2 =	vpop (erf)  }
0x290: {  	v1 =	vadd.f32 v2, v1  }
0x291: {  	v2 =	vpop (erf)  }
0x292: {  	v1 =	vadd.f32 v2, v1;
	_ =	sdelay $0x1  }
0x293: {  	(erf) = vrcp.f32 v1;
	_ =	sdelay $0x7  }
0x294: {  	s13 =	simm.s32 $0x0  }
0x295: {  	[tilespmem:$0x41E0] =	vst v0;
	s14 =	sand.u32 $0x3800, s13;
	s15 =	sand.u32 $0x380, s13;
	v1 =	vpop (erf)  }
0x296: {  	s15 =	sor.u32 s15, s14;
	[tilespmem:$0x40E0] =	vst v1  }
0x297: {  	v1 =	vld [tilespmem:s15+$0x470];
	_ =	sdelay $0x2  }
0x298: {  	s16 =	simm.s32 $0x80;
	s17 =	simm.s32 $0x100  }
0x299: {  	s19 =	sand.u32 $0x3800, s17;
	s20 =	sand.u32 $0x380, s16;
	v2 =	vimm.f32 $-Inf  }
0x29a: {  	v0 =	vimm.s32 $0x0;
	s18 =	simm.s32 $0x2;
	s14 =	simm.s32 $0x1;
	s19 =	sor.u32 s20, s19;
	vm0 =	vgt.f32 v1, v2;
	v2 =	vmax.f32 v2, v1  }
.LBB2_62:
0x29b: {  	p0 =	sne.s32 s18, $0x3F  }
0x29c: {  	v1 =	vld [tilespmem:s19+$0x470];
	v0 =	vsel vm0, s13, v0;
	s13 =	smov.u32 s14;
	s14 =	smov.u32 s18;
	s18 =	sadd.s32 $0x1, s18  }
.Ltmp30:
0x29d: {  	(pc) =	sbr.rel @p0 .LBB2_62-.Ltmp30, $4  }
0x29e: {  	_ = 	snop  }
0x29f: {  	s16 =	sadd.s32 $0x80, s16;
	s17 =	sadd.s32 $0x100, s17  }
0x2a0: {  	s19 =	sand.u32 $0x3800, s17;
	s20 =	sand.u32 $0x380, s16  }
0x2a1: {  	s19 =	sor.u32 s20, s19;
	vm0 =	vgt.f32 v1, v2;
	v2 =	vmax.f32 v2, v1  }
0x2a2: {  	v3 =	vld [tilespmem:s19+$0x470]  }
0x2a3: {  	v4 =	vld [tilespmem:s15+$0x470];
	_ =	sdelay $0x2  }
0x2a4: {  	s16 =	simm.s32 $0x100;
	s17 =	simm.s32 $0x80  }
0x2a5: {  	s28 =	sand.u32 $0x3800, s16;
	s29 =	sand.u32 $0x380, s17;
	v1 =	vmax.f32 v2, v3  }
0x2a6: {  	s15 =	sor.u32 s29, s28;
	v4 =	vsub.f32 v4, v1  }
0x2a7: {  	v5 =	vld [tilespmem:s15+$0x470]  }
0x2a8: {  	vm15 =	vgt.f32 v3, v2;
	v3 =	vmul.f32 $1.442695020e+00, v4;
	_ =	sdelay $0x1  }
0x2a9: {  	v0 =	vsel vm0, s13, v0;
	s30 =	simm.s32 $0x200;
	s13 =	simm.s32 $0x100;
	(erf) = vpow2.f32 v3  }
0x2aa: {  	s31 =	sand.u32 $0x380, s13;
	s15 =	sand.u32 $0x3800, s30  }
0x2ab: {  	s15 =	sor.u32 s31, s15;
	v4 =	vsub.f32 v5, v1  }
0x2ac: {  	v3 =	vld [tilespmem:s15+$0x470]  }
0x2ad: {  	v2 =	vimm.f32 $0.0e+00;
	v0 =	vsel vm15, s14, v0;
	s14 =	simm.s32 $0x300;
	v4 =	vmul.f32 $1.442695020e+00, v4  }
.LBB2_64:
0x2ae: {  	p0 =	sne.s32 s14, $0x3F00  }
.Ltmp31:
0x2af: {  	s15 =	sand.u32 $0x3800, s14;
	s13 =	sadd.s32 $0x80, s13;
	(erf) = vpow2.f32 v4;
	(pc) =	sbr.rel @p0 .LBB2_64-.Ltmp31, $4  }
0x2b0: {  	s14 =	sadd.s32 $0x100, s14;
	s16 =	sand.u32 $0x380, s13  }
0x2b1: {  	s15 =	sor.u32 s16, s15;
	v4 =	vsub.f32 v3, v1  }
0x2b2: {  	v3 =	vld [tilespmem:s15+$0x470];
	v5 =	vpop (erf)  }
0x2b3: {  	v4 =	vmul.f32 $1.442695020e+00, v4;
	v2 =	vadd.f32 v5, v2  }
0x2b4: {  	_ =	sdelay $0x2  }
0x2b5: {  	v1 =	vsub.f32 v3, v1;
	_ =	sdelay $0x1  }
0x2b6: {  	(erf) = vpow2.f32 v4;
	v1 =	vmul.f32 $1.442695020e+00, v1;
	_ =	sdelay $0x1  }
0x2b7: {  	(erf) = vpow2.f32 v1;
	_ =	sdelay $0x4  }
0x2b8: {  	v61 =	vpop (erf)  }
0x2b9: {  	v1 =	vadd.f32 v61, v2  }
0x2ba: {  	v62 =	vpop (erf)  }
0x2bb: {  	v1 =	vadd.f32 v62, v1  }
0x2bc: {  	v63 =	vpop (erf)  }
0x2bd: {  	v1 =	vadd.f32 v63, v1;
	_ =	sdelay $0x1  }
0x2be: {  	(erf) = vrcp.f32 v1;
	_ =	sdelay $0x8  }
0x2bf: {  	[tilespmem:$0x41F0] =	vst v0;
	v1 =	vpop (erf)  }
0x2c0: {  	[tilespmem:$0x40F0] =	vst v1  }
0x2c1: {  	[hbm4b:s4+s2] =	stream.linear.scatter [tilespmem:s10], [sflag:$0x1], $0x100, $0x38;
	[tilespmem:$0x4200] =	vst v63  }
0x2c2: {  	s12 =	sadd.s32 $0x1, s12;
	_ =	swait.ge [sflag:s9], $0x100  }
0x2c3: {  	p0 =	sne.s32 s12, s6;
	[sflag:s9] =	ssyncset.done $0x0  }
.Ltmp32:
0x2c4: {  	[sflag:s9] =	ssyncadd.s32 $0xFFFFFF00;
	(pc) =	sbr.rel @p0 .LBB2_1-.Ltmp32, $4  }
0x2c5: {  	[hbm4b:s5+s2] =	stream.linear.scatter [tilespmem:s11], [sflag:$0x1], $0x100, $0x38;
	[tilespmem:$0x4200] =	vst v63  }
0x2c6: {  	_ =	swait.ge [sflag:s9], $0x100  }
0x2c7: {  	[sflag:s9] =	ssyncset.done $0x0  }
0x2c8: {  	[sflag:s9] =	ssyncadd.s32 $0xFFFFFF00  }
0x2c9: {  	_ =	sfence.sel $0x180000  }
0x2ca: {  	[bflag:$0x0] =	sbarrier.arrive $0xFFFF  }
0x2cb: {  	p0 =	sne.s32 s1, $0x0;
	_ =	strace $0x90000047  }
0x2cc: {  	s0 =	sadd.s32 @!p0 $0x100000, s0;
	[bflag:$0x2] =	sbarrier.arrive $0xFFFF  }
0x2cd: {  	[sflag:s0] =	ssyncadd.tile.s32 @!p0 $0x1;
	_ =	shalt  }
.Lfunc_end2:
_tile_overlayer_lowered:
.L_overlay_start_2:
0x2ce: {  	(tag) =	ssettag $0x2  }
0x2cf: {  	s0 =	rddreg [dreg:$0x0];
	s2 =	stileid.u32  }
0x2d0: {  	s1 =	rddreg [dreg:$0x1];
	p0 =	sne.s32 s2, $0x0  }
0x2d1: {  	s3 =	rddreg [dreg:$0x2];
	[bflag:$0x3] =	sbarrier.arrive $0xFFFF;
	s2 =	simm.s32 @!p0 $0x1C01  }
0x2d2: {  	[timem:s3], [sflag:s2] =	dma.local @!p0 [hbm:s0], s1  }
0x2d3: {  	s0 =	simm.s32 @!p0 $0x1  }
0x2d4: {  	_ =	swait.ge @!p0 [sflag:s0], s1  }
0x2d5: {  	s1 =	ssub.s32 @!p0 $0x0, s1;
	[sflag:s0] =	ssyncset.done @!p0 $0x0  }
0x2d6: {  	[sflag:s0] =	ssyncadd.s32 @!p0 s1  }
0x2d7: {  	[bflag:$0x3] =	sbarrier.arrive $0xFFFF  }
0x2d8: {  	_ =	shalt  }

</sc_bundles>
